<compile_context>
chip_gen: v7x
topology: tpu7x:2x2x1
jax: 0.10.2.dev20260603
libtpu: 0.0.44.dev20260713+nightly
codegen_flags: <defaults>
</compile_context>

<pallas_src>
import functools

import jax
import jax.numpy as jnp
from jax import lax
from jax.experimental import pallas as pl
from jax.experimental.pallas import tpu as pltpu
from jax.experimental.pallas import tpu_sc as plsc

_NC = 2
_NS = 16
_NW = _NC * _NS
_L = 16


def _feats_body(x_ref, w_in_ref, wcat_ref, c_ref, o_ref):
    m8 = lax.dot_general(w_in_ref[...], wcat_ref[...],
                         (((1,), (0,)), ((), ())),
                         precision=lax.Precision.HIGHEST,
                         preferred_element_type=jnp.float32)
    o_ref[...] = lax.dot_general(m8, x_ref[...],
                                 (((0,), (1,)), ((), ())),
                                 preferred_element_type=jnp.float32) + c_ref[...]


def _reduce_body(p_ref, b_ref, o_ref):
    parity = lax.broadcasted_iota(jnp.int32, o_ref.shape, 1) & 1
    bias = jnp.where(parity == 0, b_ref[0], b_ref[1])
    o_ref[...] = jnp.sum(p_ref[...], axis=0, keepdims=True) + bias


def _make_sc_edge_kernel(n_nodes, n_edges):
    cols = n_edges // 128
    cpw = cols // _NW
    rem = cols - cpw * _NW
    epw = cpw * 128
    acc_len = 2 * n_nodes
    mesh = plsc.VectorSubcoreMesh(core_axis_name="c", subcore_axis_name="s",
                                  num_cores=_NC, num_subcores=_NS)

    @functools.partial(
        pl.kernel,
        out_type=jax.ShapeDtypeStruct((_NW, acc_len), jnp.float32),
        mesh=mesh,
        compiler_params=pltpu.CompilerParams(needs_layout_passes=False),
        scratch_types=[
            pltpu.VMEM((2, epw), jnp.int32),
            pltpu.VMEM((2, 128), jnp.int32),
            pltpu.VMEM((n_nodes,), jnp.float32),
            pltpu.VMEM((n_nodes,), jnp.float32),
            pltpu.VMEM((n_nodes,), jnp.float32),
            pltpu.VMEM((n_nodes,), jnp.float32),
            pltpu.VMEM((acc_len,), jnp.float32),
            pltpu.SemaphoreType.DMA,
        ],
    )
    def sc_edge_kernel(ei_hbm, feats_hbm, part_hbm,
                       epv, exv, g0v, g1v, pv, qv, accv, sem):
        wid = lax.axis_index("s") * _NC + lax.axis_index("c")
        base = wid * epw
        exbase = (cpw * _NW + jnp.minimum(wid, rem - 1)) * 128
        cps = [
            pltpu.async_copy(ei_hbm.at[:, pl.ds(base, epw)], epv, sem),
            pltpu.async_copy(ei_hbm.at[:, pl.ds(exbase, 128)], exv, sem),
            pltpu.async_copy(feats_hbm.at[0], g0v, sem),
            pltpu.async_copy(feats_hbm.at[1], g1v, sem),
            pltpu.async_copy(feats_hbm.at[2], pv, sem),
            pltpu.async_copy(feats_hbm.at[3], qv, sem),
        ]

        zeros = jnp.zeros((_L,), jnp.float32)

        @plsc.parallel_loop(0, acc_len // _L, 1, unroll=10)
        def zero_body(i):
            accv[pl.ds(i * _L, _L)] = zeros

        for cp in cps:
            cp.wait()

        def do_edges(s, d):
            pp = plsc.load_gather(pv, [s])
            qq = plsc.load_gather(qv, [d])
            w = 1.0 / (1.0 + jnp.exp(-(pp + qq)))
            w0 = w * plsc.load_gather(g0v, [s])
            w1 = w * plsc.load_gather(g1v, [s])
            d2 = d + d
            plsc.addupdate_scatter(accv, [d2], w0)
            plsc.addupdate_scatter(accv, [d2 + 1], w1)

        @plsc.parallel_loop(0, epw // _L, 1, unroll=8)
        def edge_body(i):
            off = i * _L
            do_edges(epv[0, pl.ds(off, _L)], epv[1, pl.ds(off, _L)])

        @pl.when(wid < rem)
        def extra_edges():
            @plsc.parallel_loop(0, 128 // _L, 1, unroll=4)
            def extra_body(i):
                off = i * _L
                do_edges(exv[0, pl.ds(off, _L)], exv[1, pl.ds(off, _L)])

        pltpu.sync_copy(accv, part_hbm.at[wid])

    return sc_edge_kernel


def kernel(x, edge_index, W_in, b_in, W_edge, b_edge, W_out, b_out):
    n_nodes, in_feats = x.shape
    n_edges = edge_index.shape[1]
    hidden = W_in.shape[1]

    wcat = jnp.concatenate(
        [W_out, W_edge[:hidden], W_edge[hidden:],
         jnp.zeros((hidden, 4), jnp.float32)], axis=1)
    ext = jnp.zeros((8,), jnp.float32).at[3].set(b_edge[0])
    c_col = (b_in @ wcat + ext).reshape(8, 1)

    feats = pl.pallas_call(
        _feats_body,
        out_shape=jax.ShapeDtypeStruct((8, n_nodes), jnp.float32),
        in_specs=[
            pl.BlockSpec((n_nodes, in_feats), lambda: (0, 0)),
            pl.BlockSpec((in_feats, hidden), lambda: (0, 0)),
            pl.BlockSpec((hidden, 8), lambda: (0, 0)),
            pl.BlockSpec((8, 1), lambda: (0, 0)),
        ],
        out_specs=pl.BlockSpec((8, n_nodes), lambda: (0, 0)),
    )(x, W_in, wcat, c_col)

    partials = _make_sc_edge_kernel(n_nodes, n_edges)(edge_index, feats)

    acc_len = 2 * n_nodes
    out_flat = pl.pallas_call(
        _reduce_body,
        out_shape=jax.ShapeDtypeStruct((1, acc_len), jnp.float32),
        in_specs=[
            pl.BlockSpec((_NW, acc_len), lambda: (0, 0)),
            pl.BlockSpec(memory_space=pltpu.SMEM),
        ],
        out_specs=pl.BlockSpec((1, acc_len), lambda: (0, 0)),
    )(partials, b_out)

    return out_flat.reshape(n_nodes, 2)

# --- scband reference (transcript-rebuilt; emitter-appended) ---
"""Pipeline reference for scband-particle-graph-network-68066641707588 (READ-ONLY COPY).

The authoritative reference and input builder live on the scoring server;
editing this copy changes nothing except your own understanding.
"""

import jax, jax.numpy as jnp
import numpy as np

N_NODES = 10000
N_EDGES = 320000
IN_FEATS = 128
HIDDEN = 64
NUM_CLASSES = 2

def setup_inputs(seed: int = 0) -> dict:
    key = jax.random.key(seed)
    ks = jax.random.split(key, 8)
    x = jax.random.normal(ks[0], (N_NODES, IN_FEATS), dtype=jnp.float32)
    edge_index = jax.random.randint(ks[1], (2, N_EDGES), 0, N_NODES, dtype=jnp.int64 if jax.config.jax_enable_x64 else jnp.int32).astype(jnp.int32)
    # parameters (PyTorch nn.Linear: y = x @ W.T + b); store transposed for jnp
    W_in = jax.random.normal(ks[2], (IN_FEATS, HIDDEN), dtype=jnp.float32) * (1.0 / np.sqrt(IN_FEATS))
    b_in = jnp.zeros((HIDDEN,), dtype=jnp.float32)
    W_edge = jax.random.normal(ks[3], (2 * HIDDEN, 1), dtype=jnp.float32) * (1.0 / np.sqrt(2 * HIDDEN))
    b_edge = jnp.zeros((1,), dtype=jnp.float32)
    W_out = jax.random.normal(ks[4], (HIDDEN, NUM_CLASSES), dtype=jnp.float32) * (1.0 / np.sqrt(HIDDEN))
    b_out = jnp.zeros((NUM_CLASSES,), dtype=jnp.float32)
    return {"x": x, "edge_index": edge_index, "W_in": W_in, "b_in": b_in,
            "W_edge": W_edge, "b_edge": b_edge, "W_out": W_out, "b_out": b_out}

def reference(x, edge_index, W_in, b_in, W_edge, b_edge, W_out, b_out):
    # input_module
    h = x @ W_in + b_in  # [N, HIDDEN]
    src = edge_index[0]
    dst = edge_index[1]
    # edge_function: w = sigmoid(Linear(cat[h_src, h_dst]))
    h_u = jnp.take(h, src, axis=0)  # [E, HIDDEN]
    h_v = jnp.take(h, dst, axis=0)  # [E, HIDDEN]
    edge_h = jnp.concatenate([h_u, h_v], axis=1)  # [E, 2*HIDDEN]
    w = jax.nn.sigmoid(edge_h @ W_edge + b_edge)  # [E, 1]
    # message: m = h_src * w ; reduce: sum over incoming edges at dst
    m = h_u * w  # [E, HIDDEN]
    h_agg = jax.ops.segment_sum(m, dst, num_segments=N_NODES)  # [N, HIDDEN]
    # graph_module output layer
    out = h_agg @ W_out + b_out  # [N, NUM_CLASSES]
    return out

if __name__ == "__main__":
    import jax
    _d = setup_inputs()
    print(jax.jit(kernel)(*tuple(_d.values())))

</pallas_src>

<mosaic_0001>
#map = affine_map<(d0, d1) -> (0, 0)>
module attributes {stable_mosaic.version = 14 : i64} {
  func.func @sc_edge_kernel(%arg0: i32, %arg1: i32, %arg2: memref<2x320000xi32, #tpu.memory_space<hbm>>, %arg3: memref<8x10000xf32, #tpu.memory_space<hbm>>, %arg4: memref<32x20000xf32, #tpu.memory_space<hbm>>, %arg5: memref<2x9984xi32, #tpu.memory_space<vmem>>, %arg6: memref<2x128xi32, #tpu.memory_space<vmem>>, %arg7: memref<10000xf32, #tpu.memory_space<vmem>>, %arg8: memref<10000xf32, #tpu.memory_space<vmem>>, %arg9: memref<10000xf32, #tpu.memory_space<vmem>>, %arg10: memref<10000xf32, #tpu.memory_space<vmem>>, %arg11: memref<20000xf32, #tpu.memory_space<vmem>>, %arg12: memref<!tpu.dma_semaphore, #tpu.memory_space<semaphore_mem>>) attributes {dimension_semantics = [#tpu.dimension_semantics<core_parallel>, #tpu.dimension_semantics<subcore_parallel>], iteration_bounds = array<i64: 2, 16>, scalar_prefetch = 0 : i64, scratch_operands = 8 : i64, tpu.core_type = #tpu.core_type<sc_vector_subcore>, window_params = [{transform_indices = #map}, {transform_indices = #map}, {transform_indices = #map}]} {
    %mul3A = arith.constant 2 : i32
    %mul3A_0 = arith.muli %arg1, %mul3A : i32
    %add3A = arith.addi %mul3A_0, %arg0 : i32
    %mul3A_1 = arith.constant 9984 : i32
    %mul3A_2 = arith.muli %add3A, %mul3A_1 : i32
    %min3A = arith.constant 3 : i32
    %min3A_3 = arith.minsi %add3A, %min3A : i32
    %add3A_4 = arith.constant 2496 : i32
    %add3A_5 = arith.addi %add3A_4, %min3A_3 : i32
    %mul3A_6 = arith.constant 128 : i32
    %mul3A_7 = arith.muli %add3A_5, %mul3A_6 : i32
    %dma_start3A = arith.constant 0 : i32
    %dma_start3A_8 = tpu.memref_slice %arg2[%dma_start3A, %mul3A_2] : memref<2x320000xi32, #tpu.memory_space<hbm>> -> memref<2x9984xi32, #tpu.memory_space<hbm>>
    %dma_start3A_9 = arith.constant 0 : i32
    %dma_start3A_10 = tpu.memref_slice %arg2[%dma_start3A_9, %mul3A_2] : memref<2x320000xi32, #tpu.memory_space<hbm>> -> memref<2x9984xi32, #tpu.memory_space<hbm>>
    tpu.enqueue_dma source(%dma_start3A_10 : memref<2x9984xi32, #tpu.memory_space<hbm>>) target(%arg5 : memref<2x9984xi32, #tpu.memory_space<vmem>>) target_semaphore(%arg12 : memref<!tpu.dma_semaphore, #tpu.memory_space<semaphore_mem>>)
    %dma_start3A_11 = arith.constant 0 : i32
    %dma_start3A_12 = tpu.memref_slice %arg2[%dma_start3A_11, %mul3A_7] : memref<2x320000xi32, #tpu.memory_space<hbm>> -> memref<2x128xi32, #tpu.memory_space<hbm>>
    %dma_start3A_13 = arith.constant 0 : i32
    %dma_start3A_14 = tpu.memref_slice %arg2[%dma_start3A_13, %mul3A_7] : memref<2x320000xi32, #tpu.memory_space<hbm>> -> memref<2x128xi32, #tpu.memory_space<hbm>>
    tpu.enqueue_dma source(%dma_start3A_14 : memref<2x128xi32, #tpu.memory_space<hbm>>) target(%arg6 : memref<2x128xi32, #tpu.memory_space<vmem>>) target_semaphore(%arg12 : memref<!tpu.dma_semaphore, #tpu.memory_space<semaphore_mem>>)
    %dma_start3A_15 = arith.constant 0 : i32
    %dma_start3A_16 = arith.constant 0 : i32
    %dma_start3A_17 = tpu.memref_slice %arg3[%dma_start3A_15, %dma_start3A_16] : memref<8x10000xf32, #tpu.memory_space<hbm>> -> memref<1x10000xf32, #tpu.memory_space<hbm>>
    %dma_start3A_18 = tpu.memref_squeeze %dma_start3A_17 : memref<1x10000xf32, #tpu.memory_space<hbm>> -> memref<10000xf32, #tpu.memory_space<hbm>>
    %dma_start3A_19 = arith.constant 0 : i32
    %dma_start3A_20 = tpu.memref_slice %arg3[%dma_start3A_15, %dma_start3A_19] : memref<8x10000xf32, #tpu.memory_space<hbm>> -> memref<1x10000xf32, #tpu.memory_space<hbm>>
    %dma_start3A_21 = tpu.memref_squeeze %dma_start3A_20 : memref<1x10000xf32, #tpu.memory_space<hbm>> -> memref<10000xf32, #tpu.memory_space<hbm>>
    tpu.enqueue_dma source(%dma_start3A_21 : memref<10000xf32, #tpu.memory_space<hbm>>) target(%arg7 : memref<10000xf32, #tpu.memory_space<vmem>>) target_semaphore(%arg12 : memref<!tpu.dma_semaphore, #tpu.memory_space<semaphore_mem>>)
    %dma_start3A_22 = arith.constant 1 : i32
    %dma_start3A_23 = arith.constant 0 : i32
    %dma_start3A_24 = tpu.memref_slice %arg3[%dma_start3A_22, %dma_start3A_23] : memref<8x10000xf32, #tpu.memory_space<hbm>> -> memref<1x10000xf32, #tpu.memory_space<hbm>>
    %dma_start3A_25 = tpu.memref_squeeze %dma_start3A_24 : memref<1x10000xf32, #tpu.memory_space<hbm>> -> memref<10000xf32, #tpu.memory_space<hbm>>
    %dma_start3A_26 = arith.constant 0 : i32
    %dma_start3A_27 = tpu.memref_slice %arg3[%dma_start3A_22, %dma_start3A_26] : memref<8x10000xf32, #tpu.memory_space<hbm>> -> memref<1x10000xf32, #tpu.memory_space<hbm>>
    %dma_start3A_28 = tpu.memref_squeeze %dma_start3A_27 : memref<1x10000xf32, #tpu.memory_space<hbm>> -> memref<10000xf32, #tpu.memory_space<hbm>>
    tpu.enqueue_dma source(%dma_start3A_28 : memref<10000xf32, #tpu.memory_space<hbm>>) target(%arg8 : memref<10000xf32, #tpu.memory_space<vmem>>) target_semaphore(%arg12 : memref<!tpu.dma_semaphore, #tpu.memory_space<semaphore_mem>>)
    %dma_start3A_29 = arith.constant 2 : i32
    %dma_start3A_30 = arith.constant 0 : i32
    %dma_start3A_31 = tpu.memref_slice %arg3[%dma_start3A_29, %dma_start3A_30] : memref<8x10000xf32, #tpu.memory_space<hbm>> -> memref<1x10000xf32, #tpu.memory_space<hbm>>
    %dma_start3A_32 = tpu.memref_squeeze %dma_start3A_31 : memref<1x10000xf32, #tpu.memory_space<hbm>> -> memref<10000xf32, #tpu.memory_space<hbm>>
    %dma_start3A_33 = arith.constant 0 : i32
    %dma_start3A_34 = tpu.memref_slice %arg3[%dma_start3A_29, %dma_start3A_33] : memref<8x10000xf32, #tpu.memory_space<hbm>> -> memref<1x10000xf32, #tpu.memory_space<hbm>>
    %dma_start3A_35 = tpu.memref_squeeze %dma_start3A_34 : memref<1x10000xf32, #tpu.memory_space<hbm>> -> memref<10000xf32, #tpu.memory_space<hbm>>
    tpu.enqueue_dma source(%dma_start3A_35 : memref<10000xf32, #tpu.memory_space<hbm>>) target(%arg9 : memref<10000xf32, #tpu.memory_space<vmem>>) target_semaphore(%arg12 : memref<!tpu.dma_semaphore, #tpu.memory_space<semaphore_mem>>)
    %dma_start3A_36 = arith.constant 3 : i32
    %dma_start3A_37 = arith.constant 0 : i32
    %dma_start3A_38 = tpu.memref_slice %arg3[%dma_start3A_36, %dma_start3A_37] : memref<8x10000xf32, #tpu.memory_space<hbm>> -> memref<1x10000xf32, #tpu.memory_space<hbm>>
    %dma_start3A_39 = tpu.memref_squeeze %dma_start3A_38 : memref<1x10000xf32, #tpu.memory_space<hbm>> -> memref<10000xf32, #tpu.memory_space<hbm>>
    %dma_start3A_40 = arith.constant 0 : i32
    %dma_start3A_41 = tpu.memref_slice %arg3[%dma_start3A_36, %dma_start3A_40] : memref<8x10000xf32, #tpu.memory_space<hbm>> -> memref<1x10000xf32, #tpu.memory_space<hbm>>
    %dma_start3A_42 = tpu.memref_squeeze %dma_start3A_41 : memref<1x10000xf32, #tpu.memory_space<hbm>> -> memref<10000xf32, #tpu.memory_space<hbm>>
    tpu.enqueue_dma source(%dma_start3A_42 : memref<10000xf32, #tpu.memory_space<hbm>>) target(%arg10 : memref<10000xf32, #tpu.memory_space<vmem>>) target_semaphore(%arg12 : memref<!tpu.dma_semaphore, #tpu.memory_space<semaphore_mem>>)
    %broadcast_in_dim3A = arith.constant 0.000000e+00 : f32
    %broadcast_in_dim3A_43 = vector.broadcast %broadcast_in_dim3A : f32 to vector<16xf32>
    %parallel_loop3A = arith.constant 0 : i32
    %parallel_loop3A_44 = arith.constant 1250 : i32
    %parallel_loop3A_45 = arith.constant 1 : i32
    scf.for %parallel_loop3A_86 = %parallel_loop3A to %parallel_loop3A_44 step %parallel_loop3A_45  : i32 {
      %parallel_loop3A_87 = arith.constant 16 : i32
      %parallel_loop3A_88 = arith.muli %parallel_loop3A_86, %parallel_loop3A_87 : i32
      %parallel_loop3A_89 = arith.index_cast %parallel_loop3A_88 : i32 to index
      %parallel_loop3A_90 = tpu.vector_load %arg11[%parallel_loop3A_89] {strides = array<i32>} : memref<20000xf32, #tpu.memory_space<vmem>>, vector<16xf32>,
      tpu.vector_store %arg11[%parallel_loop3A_89], %broadcast_in_dim3A_43 {strides = array<i32>} : memref<20000xf32, #tpu.memory_space<vmem>>, vector<16xf32>,
    } {sc.loop_unroll_factor = 10 : i64, sc.parallel_access}
    %dma_wait3A = arith.constant 0 : i32
    %dma_wait3A_46 = tpu.memref_slice %arg2[%dma_wait3A, %mul3A_2] : memref<2x320000xi32, #tpu.memory_space<hbm>> -> memref<2x9984xi32, #tpu.memory_space<hbm>>
    %dma_wait3A_47 = arith.constant 0 : i32
    %dma_wait3A_48 = tpu.memref_slice %arg2[%dma_wait3A_47, %mul3A_2] : memref<2x320000xi32, #tpu.memory_space<hbm>> -> memref<2x9984xi32, #tpu.memory_space<hbm>>
    tpu.wait_dma2 semaphore(%arg12 : memref<!tpu.dma_semaphore, #tpu.memory_space<semaphore_mem>>) src(%dma_wait3A_48 : memref<2x9984xi32, #tpu.memory_space<hbm>>) dst(%arg5 : memref<2x9984xi32, #tpu.memory_space<vmem>>)
    %dma_wait3A_49 = arith.constant 0 : i32
    %dma_wait3A_50 = tpu.memref_slice %arg2[%dma_wait3A_49, %mul3A_7] : memref<2x320000xi32, #tpu.memory_space<hbm>> -> memref<2x128xi32, #tpu.memory_space<hbm>>
    %dma_wait3A_51 = arith.constant 0 : i32
    %dma_wait3A_52 = tpu.memref_slice %arg2[%dma_wait3A_51, %mul3A_7] : memref<2x320000xi32, #tpu.memory_space<hbm>> -> memref<2x128xi32, #tpu.memory_space<hbm>>
    tpu.wait_dma2 semaphore(%arg12 : memref<!tpu.dma_semaphore, #tpu.memory_space<semaphore_mem>>) src(%dma_wait3A_52 : memref<2x128xi32, #tpu.memory_space<hbm>>) dst(%arg6 : memref<2x128xi32, #tpu.memory_space<vmem>>)
    %dma_wait3A_53 = arith.constant 0 : i32
    %dma_wait3A_54 = arith.constant 0 : i32
    %dma_wait3A_55 = tpu.memref_slice %arg3[%dma_wait3A_53, %dma_wait3A_54] : memref<8x10000xf32, #tpu.memory_space<hbm>> -> memref<1x10000xf32, #tpu.memory_space<hbm>>
    %dma_wait3A_56 = tpu.memref_squeeze %dma_wait3A_55 : memref<1x10000xf32, #tpu.memory_space<hbm>> -> memref<10000xf32, #tpu.memory_space<hbm>>
    %dma_wait3A_57 = arith.constant 0 : i32
    %dma_wait3A_58 = tpu.memref_slice %arg3[%dma_wait3A_53, %dma_wait3A_57] : memref<8x10000xf32, #tpu.memory_space<hbm>> -> memref<1x10000xf32, #tpu.memory_space<hbm>>
    %dma_wait3A_59 = tpu.memref_squeeze %dma_wait3A_58 : memref<1x10000xf32, #tpu.memory_space<hbm>> -> memref<10000xf32, #tpu.memory_space<hbm>>
    tpu.wait_dma2 semaphore(%arg12 : memref<!tpu.dma_semaphore, #tpu.memory_space<semaphore_mem>>) src(%dma_wait3A_59 : memref<10000xf32, #tpu.memory_space<hbm>>) dst(%arg7 : memref<10000xf32, #tpu.memory_space<vmem>>)
    %dma_wait3A_60 = arith.constant 1 : i32
    %dma_wait3A_61 = arith.constant 0 : i32
    %dma_wait3A_62 = tpu.memref_slice %arg3[%dma_wait3A_60, %dma_wait3A_61] : memref<8x10000xf32, #tpu.memory_space<hbm>> -> memref<1x10000xf32, #tpu.memory_space<hbm>>
    %dma_wait3A_63 = tpu.memref_squeeze %dma_wait3A_62 : memref<1x10000xf32, #tpu.memory_space<hbm>> -> memref<10000xf32, #tpu.memory_space<hbm>>
    %dma_wait3A_64 = arith.constant 0 : i32
    %dma_wait3A_65 = tpu.memref_slice %arg3[%dma_wait3A_60, %dma_wait3A_64] : memref<8x10000xf32, #tpu.memory_space<hbm>> -> memref<1x10000xf32, #tpu.memory_space<hbm>>
    %dma_wait3A_66 = tpu.memref_squeeze %dma_wait3A_65 : memref<1x10000xf32, #tpu.memory_space<hbm>> -> memref<10000xf32, #tpu.memory_space<hbm>>
    tpu.wait_dma2 semaphore(%arg12 : memref<!tpu.dma_semaphore, #tpu.memory_space<semaphore_mem>>) src(%dma_wait3A_66 : memref<10000xf32, #tpu.memory_space<hbm>>) dst(%arg8 : memref<10000xf32, #tpu.memory_space<vmem>>)
    %dma_wait3A_67 = arith.constant 2 : i32
    %dma_wait3A_68 = arith.constant 0 : i32
    %dma_wait3A_69 = tpu.memref_slice %arg3[%dma_wait3A_67, %dma_wait3A_68] : memref<8x10000xf32, #tpu.memory_space<hbm>> -> memref<1x10000xf32, #tpu.memory_space<hbm>>
    %dma_wait3A_70 = tpu.memref_squeeze %dma_wait3A_69 : memref<1x10000xf32, #tpu.memory_space<hbm>> -> memref<10000xf32, #tpu.memory_space<hbm>>
    %dma_wait3A_71 = arith.constant 0 : i32
    %dma_wait3A_72 = tpu.memref_slice %arg3[%dma_wait3A_67, %dma_wait3A_71] : memref<8x10000xf32, #tpu.memory_space<hbm>> -> memref<1x10000xf32, #tpu.memory_space<hbm>>
    %dma_wait3A_73 = tpu.memref_squeeze %dma_wait3A_72 : memref<1x10000xf32, #tpu.memory_space<hbm>> -> memref<10000xf32, #tpu.memory_space<hbm>>
    tpu.wait_dma2 semaphore(%arg12 : memref<!tpu.dma_semaphore, #tpu.memory_space<semaphore_mem>>) src(%dma_wait3A_73 : memref<10000xf32, #tpu.memory_space<hbm>>) dst(%arg9 : memref<10000xf32, #tpu.memory_space<vmem>>)
    %dma_wait3A_74 = arith.constant 3 : i32
    %dma_wait3A_75 = arith.constant 0 : i32
    %dma_wait3A_76 = tpu.memref_slice %arg3[%dma_wait3A_74, %dma_wait3A_75] : memref<8x10000xf32, #tpu.memory_space<hbm>> -> memref<1x10000xf32, #tpu.memory_space<hbm>>
    %dma_wait3A_77 = tpu.memref_squeeze %dma_wait3A_76 : memref<1x10000xf32, #tpu.memory_space<hbm>> -> memref<10000xf32, #tpu.memory_space<hbm>>
    %dma_wait3A_78 = arith.constant 0 : i32
    %dma_wait3A_79 = tpu.memref_slice %arg3[%dma_wait3A_74, %dma_wait3A_78] : memref<8x10000xf32, #tpu.memory_space<hbm>> -> memref<1x10000xf32, #tpu.memory_space<hbm>>
    %dma_wait3A_80 = tpu.memref_squeeze %dma_wait3A_79 : memref<1x10000xf32, #tpu.memory_space<hbm>> -> memref<10000xf32, #tpu.memory_space<hbm>>
    tpu.wait_dma2 semaphore(%arg12 : memref<!tpu.dma_semaphore, #tpu.memory_space<semaphore_mem>>) src(%dma_wait3A_80 : memref<10000xf32, #tpu.memory_space<hbm>>) dst(%arg10 : memref<10000xf32, #tpu.memory_space<vmem>>)
    %parallel_loop3A_81 = arith.constant 0 : i32
    %parallel_loop3A_82 = arith.constant 624 : i32
    %parallel_loop3A_83 = arith.constant 1 : i32
    scf.for %parallel_loop3A_86 = %parallel_loop3A_81 to %parallel_loop3A_82 step %parallel_loop3A_83  : i32 {
      %parallel_loop3A_87 = arith.constant 16 : i32
      %parallel_loop3A_88 = arith.muli %parallel_loop3A_86, %parallel_loop3A_87 : i32
      %parallel_loop3A_89 = arith.constant 0 : i32
      %parallel_loop3A_90 = arith.index_cast %parallel_loop3A_89 : i32 to index
      %parallel_loop3A_91 = arith.index_cast %parallel_loop3A_88 : i32 to index
      %parallel_loop3A_92 = tpu.vector_load %arg5[%parallel_loop3A_90, %parallel_loop3A_91] {strides = array<i32>} : memref<2x9984xi32, #tpu.memory_space<vmem>>, vector<16xi32>,
      %parallel_loop3A_93 = arith.constant 1 : i32
      %parallel_loop3A_94 = arith.index_cast %parallel_loop3A_93 : i32 to index
      %parallel_loop3A_95 = arith.index_cast %parallel_loop3A_88 : i32 to index
      %parallel_loop3A_96 = tpu.vector_load %arg5[%parallel_loop3A_94, %parallel_loop3A_95] {strides = array<i32>} : memref<2x9984xi32, #tpu.memory_space<vmem>>, vector<16xi32>,
      %parallel_loop3A_97 = tpu.vector_load_idx %arg9[%parallel_loop3A_92] : memref<10000xf32, #tpu.memory_space<vmem>>[vector<16xi32>], vector<16xf32>,
      %parallel_loop3A_98 = tpu.vector_load_idx %arg10[%parallel_loop3A_96] : memref<10000xf32, #tpu.memory_space<vmem>>[vector<16xi32>], vector<16xf32>,
      %parallel_loop3A_99 = arith.addf %parallel_loop3A_97, %parallel_loop3A_98 : vector<16xf32>
      %parallel_loop3A_100 = arith.constant 0.000000e+00 : f32
      %parallel_loop3A_101 = vector.broadcast %parallel_loop3A_100 : f32 to vector<16xf32>
      %parallel_loop3A_102 = arith.subf %parallel_loop3A_101, %parallel_loop3A_99 : vector<16xf32>
      %parallel_loop3A_103 = math.exp %parallel_loop3A_102 : vector<16xf32>
      %parallel_loop3A_104 = arith.constant 1.000000e+00 : f32
      %parallel_loop3A_105 = vector.broadcast %parallel_loop3A_104 : f32 to vector<16xf32>
      %parallel_loop3A_106 = arith.addf %parallel_loop3A_105, %parallel_loop3A_103 : vector<16xf32>
      %parallel_loop3A_107 = arith.constant 1.000000e+00 : f32
      %parallel_loop3A_108 = vector.broadcast %parallel_loop3A_107 : f32 to vector<16xf32>
      %parallel_loop3A_109 = arith.divf %parallel_loop3A_108, %parallel_loop3A_106 : vector<16xf32>
      %parallel_loop3A_110 = tpu.vector_load_idx %arg7[%parallel_loop3A_92] : memref<10000xf32, #tpu.memory_space<vmem>>[vector<16xi32>], vector<16xf32>,
      %parallel_loop3A_111 = arith.mulf %parallel_loop3A_109, %parallel_loop3A_110 : vector<16xf32>
      %parallel_loop3A_112 = tpu.vector_load_idx %arg8[%parallel_loop3A_92] : memref<10000xf32, #tpu.memory_space<vmem>>[vector<16xi32>], vector<16xf32>,
      %parallel_loop3A_113 = arith.mulf %parallel_loop3A_109, %parallel_loop3A_112 : vector<16xf32>
      %parallel_loop3A_114 = arith.addi %parallel_loop3A_96, %parallel_loop3A_96 : vector<16xi32>
      tpu.vector_store_idx %arg11[%parallel_loop3A_114], %parallel_loop3A_111 {add = true} : memref<20000xf32, #tpu.memory_space<vmem>>[vector<16xi32>], vector<16xf32>,
      %parallel_loop3A_115 = arith.constant 1 : i32
      %parallel_loop3A_116 = vector.broadcast %parallel_loop3A_115 : i32 to vector<16xi32>
      %parallel_loop3A_117 = arith.addi %parallel_loop3A_114, %parallel_loop3A_116 : vector<16xi32>
      tpu.vector_store_idx %arg11[%parallel_loop3A_117], %parallel_loop3A_113 {add = true} : memref<20000xf32, #tpu.memory_space<vmem>>[vector<16xi32>], vector<16xf32>,
    } {sc.loop_unroll_factor = 8 : i64, sc.parallel_access}
    %lt3A = arith.constant 4 : i32
    %lt3A_84 = arith.cmpi slt, %add3A, %lt3A : i32
    %convert_element_type3A = arith.extui %lt3A_84 : i1 to i32
    %cond3A = arith.constant 0 : i32
    %cond3A_85 = arith.cmpi ne, %convert_element_type3A, %cond3A : i32
    scf.if %cond3A_85 {
      %parallel_loop3A_86 = arith.constant 0 : i32
      %parallel_loop3A_87 = arith.constant 8 : i32
      %parallel_loop3A_88 = arith.constant 1 : i32
      scf.for %parallel_loop3A_89 = %parallel_loop3A_86 to %parallel_loop3A_87 step %parallel_loop3A_88  : i32 {
        %parallel_loop3A_90 = arith.constant 16 : i32
        %parallel_loop3A_91 = arith.muli %parallel_loop3A_89, %parallel_loop3A_90 : i32
        %parallel_loop3A_92 = arith.constant 0 : i32
        %parallel_loop3A_93 = arith.index_cast %parallel_loop3A_92 : i32 to index
        %parallel_loop3A_94 = arith.index_cast %parallel_loop3A_91 : i32 to index
        %parallel_loop3A_95 = tpu.vector_load %arg6[%parallel_loop3A_93, %parallel_loop3A_94] {strides = array<i32>} : memref<2x128xi32, #tpu.memory_space<vmem>>, vector<16xi32>,
        %parallel_loop3A_96 = arith.constant 1 : i32
        %parallel_loop3A_97 = arith.index_cast %parallel_loop3A_96 : i32 to index
        %parallel_loop3A_98 = arith.index_cast %parallel_loop3A_91 : i32 to index
        %parallel_loop3A_99 = tpu.vector_load %arg6[%parallel_loop3A_97, %parallel_loop3A_98] {strides = array<i32>} : memref<2x128xi32, #tpu.memory_space<vmem>>, vector<16xi32>,
        %parallel_loop3A_100 = tpu.vector_load_idx %arg9[%parallel_loop3A_95] : memref<10000xf32, #tpu.memory_space<vmem>>[vector<16xi32>], vector<16xf32>,
        %parallel_loop3A_101 = tpu.vector_load_idx %arg10[%parallel_loop3A_99] : memref<10000xf32, #tpu.memory_space<vmem>>[vector<16xi32>], vector<16xf32>,
        %parallel_loop3A_102 = arith.addf %parallel_loop3A_100, %parallel_loop3A_101 : vector<16xf32>
        %parallel_loop3A_103 = arith.constant 0.000000e+00 : f32
        %parallel_loop3A_104 = vector.broadcast %parallel_loop3A_103 : f32 to vector<16xf32>
        %parallel_loop3A_105 = arith.subf %parallel_loop3A_104, %parallel_loop3A_102 : vector<16xf32>
        %parallel_loop3A_106 = math.exp %parallel_loop3A_105 : vector<16xf32>
        %parallel_loop3A_107 = arith.constant 1.000000e+00 : f32
        %parallel_loop3A_108 = vector.broadcast %parallel_loop3A_107 : f32 to vector<16xf32>
        %parallel_loop3A_109 = arith.addf %parallel_loop3A_108, %parallel_loop3A_106 : vector<16xf32>
        %parallel_loop3A_110 = arith.constant 1.000000e+00 : f32
        %parallel_loop3A_111 = vector.broadcast %parallel_loop3A_110 : f32 to vector<16xf32>
        %parallel_loop3A_112 = arith.divf %parallel_loop3A_111, %parallel_loop3A_109 : vector<16xf32>
        %parallel_loop3A_113 = tpu.vector_load_idx %arg7[%parallel_loop3A_95] : memref<10000xf32, #tpu.memory_space<vmem>>[vector<16xi32>], vector<16xf32>,
        %parallel_loop3A_114 = arith.mulf %parallel_loop3A_112, %parallel_loop3A_113 : vector<16xf32>
        %parallel_loop3A_115 = tpu.vector_load_idx %arg8[%parallel_loop3A_95] : memref<10000xf32, #tpu.memory_space<vmem>>[vector<16xi32>], vector<16xf32>,
        %parallel_loop3A_116 = arith.mulf %parallel_loop3A_112, %parallel_loop3A_115 : vector<16xf32>
        %parallel_loop3A_117 = arith.addi %parallel_loop3A_99, %parallel_loop3A_99 : vector<16xi32>
        tpu.vector_store_idx %arg11[%parallel_loop3A_117], %parallel_loop3A_114 {add = true} : memref<20000xf32, #tpu.memory_space<vmem>>[vector<16xi32>], vector<16xf32>,
        %parallel_loop3A_118 = arith.constant 1 : i32
        %parallel_loop3A_119 = vector.broadcast %parallel_loop3A_118 : i32 to vector<16xi32>
        %parallel_loop3A_120 = arith.addi %parallel_loop3A_117, %parallel_loop3A_119 : vector<16xi32>
        tpu.vector_store_idx %arg11[%parallel_loop3A_120], %parallel_loop3A_116 {add = true} : memref<20000xf32, #tpu.memory_space<vmem>>[vector<16xi32>], vector<16xf32>,
      } {sc.loop_unroll_factor = 4 : i64, sc.parallel_access}
    } else {
    }
    "tpu.region"() ({
      %run_scoped3A = tpu.sem_alloc : memref<!tpu.dma_semaphore, #tpu.memory_space<semaphore_mem>>
      %dma_start3A_86 = arith.constant 0 : i32
      %dma_start3A_87 = tpu.memref_slice %arg4[%add3A, %dma_start3A_86] : memref<32x20000xf32, #tpu.memory_space<hbm>> -> memref<1x20000xf32, #tpu.memory_space<hbm>>
      %dma_start3A_88 = tpu.memref_squeeze %dma_start3A_87 : memref<1x20000xf32, #tpu.memory_space<hbm>> -> memref<20000xf32, #tpu.memory_space<hbm>>
      %dma_start3A_89 = arith.constant 0 : i32
      %dma_start3A_90 = tpu.memref_slice %arg4[%add3A, %dma_start3A_89] : memref<32x20000xf32, #tpu.memory_space<hbm>> -> memref<1x20000xf32, #tpu.memory_space<hbm>>
      %dma_start3A_91 = tpu.memref_squeeze %dma_start3A_90 : memref<1x20000xf32, #tpu.memory_space<hbm>> -> memref<20000xf32, #tpu.memory_space<hbm>>
      tpu.enqueue_dma source(%arg11 : memref<20000xf32, #tpu.memory_space<vmem>>) target(%dma_start3A_91 : memref<20000xf32, #tpu.memory_space<hbm>>) target_semaphore(%run_scoped3A : memref<!tpu.dma_semaphore, #tpu.memory_space<semaphore_mem>>)
      %dma_wait3A_92 = arith.constant 0 : i32
      %dma_wait3A_93 = tpu.memref_slice %arg4[%add3A, %dma_wait3A_92] : memref<32x20000xf32, #tpu.memory_space<hbm>> -> memref<1x20000xf32, #tpu.memory_space<hbm>>
      %dma_wait3A_94 = tpu.memref_squeeze %dma_wait3A_93 : memref<1x20000xf32, #tpu.memory_space<hbm>> -> memref<20000xf32, #tpu.memory_space<hbm>>
      %dma_wait3A_95 = arith.constant 0 : i32
      %dma_wait3A_96 = tpu.memref_slice %arg4[%add3A, %dma_wait3A_95] : memref<32x20000xf32, #tpu.memory_space<hbm>> -> memref<1x20000xf32, #tpu.memory_space<hbm>>
      %dma_wait3A_97 = tpu.memref_squeeze %dma_wait3A_96 : memref<1x20000xf32, #tpu.memory_space<hbm>> -> memref<20000xf32, #tpu.memory_space<hbm>>
      tpu.wait_dma2 semaphore(%run_scoped3A : memref<!tpu.dma_semaphore, #tpu.memory_space<semaphore_mem>>) src(%arg11 : memref<20000xf32, #tpu.memory_space<vmem>>) dst(%dma_wait3A_97 : memref<20000xf32, #tpu.memory_space<hbm>>)
      tpu.yield
    }) : () -> ()
    return
  }
}

module attributes {stable_mosaic.version = 14 : i64} {
  func.func @_feats_body(%arg0: memref<10000x128xf32, #tpu.memory_space<vmem>>, %arg1: memref<128x64xf32, #tpu.memory_space<vmem>>, %arg2: memref<64x8xf32, #tpu.memory_space<vmem>>, %arg3: memref<8x1xf32, #tpu.memory_space<vmem>>, %arg4: memref<8x10000xf32, #tpu.memory_space<vmem>>) attributes {dimension_semantics = [], scalar_prefetch = 0 : i64, scratch_operands = 0 : i64, tpu.core_type = #tpu.core_type<tc>} {
    %get3A = arith.constant 0 : index
    %get3A_0 = arith.constant 0 : index
    %get3A_1 = vector.load %arg1[%get3A, %get3A_0] : memref<128x64xf32, #tpu.memory_space<vmem>>, vector<128x64xf32>
    %get3A_2 = arith.constant 0 : index
    %get3A_3 = arith.constant 0 : index
    %get3A_4 = vector.load %arg2[%get3A_2, %get3A_3] : memref<64x8xf32, #tpu.memory_space<vmem>>, vector<64x8xf32>
    %dot_general3A = arith.constant dense<0.000000e+00> : vector<128x8xf32>
    %dot_general3A_5 = tpu.matmul %get3A_1, %get3A_4, %dot_general3A {dimension_numbers = #tpu.dot_dimension_numbers<[1], [0], [0], [1], [0, 0, 1, 1], [], []>, precision = #tpu.contract_precision<fp32>, transpose_lhs_hint = false} : vector<128x64xf32>, vector<64x8xf32>, vector<128x8xf32> -> vector<128x8xf32>
    %get3A_6 = arith.constant 0 : index
    %get3A_7 = arith.constant 0 : index
    %get3A_8 = vector.load %arg0[%get3A_6, %get3A_7] : memref<10000x128xf32, #tpu.memory_space<vmem>>, vector<10000x128xf32>
    %dot_general3A_9 = arith.constant dense<0.000000e+00> : vector<8x10000xf32>
    %dot_general3A_10 = tpu.matmul %dot_general3A_5, %get3A_8, %dot_general3A_9 {dimension_numbers = #tpu.dot_dimension_numbers<[0], [1], [1], [0], [0, 1, 1, 0], [], []>, transpose_lhs_hint = false} : vector<128x8xf32>, vector<10000x128xf32>, vector<8x10000xf32> -> vector<8x10000xf32>
    %get3A_11 = arith.constant 0 : index
    %get3A_12 = arith.constant 0 : index
    %get3A_13 = vector.load %arg3[%get3A_11, %get3A_12] : memref<8x1xf32, #tpu.memory_space<vmem>>, vector<8x1xf32>
    %add3A = vector.broadcast %get3A_13 : vector<8x1xf32> to vector<8x10000xf32>
    %add3A_14 = arith.addf %dot_general3A_10, %add3A : vector<8x10000xf32>
    %swap3A = arith.constant 0 : index
    %swap3A_15 = arith.constant 0 : index
    %swap3A_16 = vector.load %arg4[%swap3A, %swap3A_15] : memref<8x10000xf32, #tpu.memory_space<vmem>>, vector<8x10000xf32>
    tpu.vector_store %arg4[%swap3A, %swap3A_15], %add3A_14 {strides = array<i32>} : memref<8x10000xf32, #tpu.memory_space<vmem>>, vector<8x10000xf32>,
    return
  }
}

module attributes {stable_mosaic.version = 14 : i64} {
  func.func @_reduce_body(%arg0: memref<32x20000xf32, #tpu.memory_space<vmem>>, %arg1: memref<2xf32, #tpu.memory_space<smem>>, %arg2: memref<1x20000xf32, #tpu.memory_space<vmem>>) attributes {dimension_semantics = [], scalar_prefetch = 0 : i64, scratch_operands = 0 : i64, tpu.core_type = #tpu.core_type<tc>} {
    %iota3A = tpu.iota {dimensions = array<i32: 1>} : vector<1x20000xi32>
    %and3A = arith.constant 1 : i32
    %and3A_0 = vector.broadcast %and3A : i32 to vector<1x20000xi32>
    %and3A_1 = arith.andi %iota3A, %and3A_0 : vector<1x20000xi32>
    %eq3A = arith.constant 0 : i32
    %eq3A_2 = vector.broadcast %eq3A : i32 to vector<1x20000xi32>
    %eq3A_3 = arith.cmpi eq, %and3A_1, %eq3A_2 : vector<1x20000xi32>
    %get3A = arith.constant 0 : index
    %get3A_4 = memref.load %arg1[%get3A] : memref<2xf32, #tpu.memory_space<smem>>
    %get3A_5 = arith.constant 1 : index
    %get3A_6 = memref.load %arg1[%get3A_5] : memref<2xf32, #tpu.memory_space<smem>>
    %broadcast_in_dim3A = vector.broadcast %get3A_4 : f32 to vector<1x20000xf32>
    %broadcast_in_dim3A_7 = vector.broadcast %get3A_6 : f32 to vector<1x20000xf32>
    %select_n3A = arith.select %eq3A_3, %broadcast_in_dim3A, %broadcast_in_dim3A_7 : vector<1x20000xi1>, vector<1x20000xf32>
    %get3A_8 = arith.constant 0 : index
    %get3A_9 = arith.constant 0 : index
    %get3A_10 = vector.load %arg0[%get3A_8, %get3A_9] : memref<32x20000xf32, #tpu.memory_space<vmem>>, vector<32x20000xf32>
    %reduce_sum3A = arith.constant dense<0.000000e+00> : vector<20000xf32>
    %reduce_sum3A_11 = vector.multi_reduction <add>, %get3A_10, %reduce_sum3A [0] : vector<32x20000xf32> to vector<20000xf32>
    %broadcast_in_dim3A_12 = vector.shape_cast %reduce_sum3A_11 : vector<20000xf32> to vector<1x20000xf32>
    %add3A = arith.addf %broadcast_in_dim3A_12, %select_n3A : vector<1x20000xf32>
    %swap3A = arith.constant 0 : index
    %swap3A_13 = arith.constant 0 : index
    %swap3A_14 = vector.load %arg2[%swap3A, %swap3A_13] : memref<1x20000xf32, #tpu.memory_space<vmem>>, vector<1x20000xf32>
    tpu.vector_store %arg2[%swap3A, %swap3A_13], %add3A {strides = array<i32>} : memref<1x20000xf32, #tpu.memory_space<vmem>>, vector<1x20000xf32>,
    return
  }
}

</mosaic_0001>

<sc_bundles>
// kernel: kernel.5.cloned.1.call-start
scs
__scs_entry_jumppad:
0x0: {  	(pc) =	sbr.rel $0x88, $3  }
0x1: {  	(tag) =	ssettag $0x0;
	lr =	simm.s32 $0x1  }
0x2: {  	[smem:$0x3F99] =	sst lr;
	_ =	strace $0xD0000000  }
0x3: {  	_ = 	snop  }
0x4: {  	_ = 	snop  }
0x5: {  	_ = 	snop  }
0x6: {  	_ = 	snop  }
0x7: {  	_ = 	snop  }
__scs_overlays_trampoline_lowered:
0x8: {  	[smem:$0x3FA8] =	sst s0  }
0x9: {  	[smem:$0x3FA9] =	sst s1  }
0xa: {  	[smem:$0x3FAA] =	sst s2  }
0xb: {  	[smem:$0x3FAB] =	sst s3  }
0xc: {  	[smem:$0x3FAC] =	sst s4  }
0xd: {  	[smem:$0x3FAD] =	sst s5  }
0xe: {  	[smem:$0x3FAE] =	sst s6  }
0xf: {  	[smem:$0x3FAF] =	sst s7  }
0x10: {  	[smem:$0x3FB0] =	sst s8  }
0x11: {  	[smem:$0x3FB1] =	sst s9;
	s0 =	simm.s32 @!p0 $0x0  }
0x12: {  	s1 =	sld [smem:$0x3F97];
	s0 =	simm.s32 @p0 $0x1  }
0x13: {  	[smem:$0x3FB2] =	sst s0;
	s0 =	simm.s32 @!p1 $0x0  }
0x14: {  	s2 =	sld [smem:$0x3F96];
	s0 =	simm.s32 @p1 $0x1  }
0x15: {  	[smem:$0x3FB3] =	sst s0;
	s0 =	simm.s32 @!p2 $0x0  }
0x16: {  	s3 =	sld [smem:$0x3FDB];
	s0 =	simm.s32 @p2 $0x1  }
0x17: {  	s4 =	simm.s32 $0x1BF5;
	[smem:$0x3FB5] =	sst s0  }
0x18: {  	s0 =	sld [smem:$0x3F98];
	_ =	swait.ge [sflag:s4], $0x0  }
0x19: {  	s7 =	sld [smem:$0x3F99]  }
0x1a: {  	s8 =	sadd.s32 $0xFFFFE003, lr  }
0x1b: {  	s9 =	sadd.s32 $0xFFFFFEF7, lr;
	s5 =	simm.s32 $0xFFFFFFFF;
	p2 =	slt.u32 s8, $0xFFFFF086  }
0x1c: {  	p1 =	slt.u32 s9, $0xF7A;
	s5 =	simm.s32 @!p2 $0x0  }
0x1d: {  	s5 =	simm.s32 @p1 $0x1;
	p0 =	seq.s32 s7, s2  }
0x1e: {  	s7 =	smul.u32 @!p0 $0xF7A, s2;
	p2 =	seq.s32 @!p0 s5, $0x0  }
0x1f: {  	s9 =	smul.u32 $0xF7A, s1;
	s8 =	simm.s32 @!p0 $0x1BF5;
	p2 =	por !p2, p0  }
0x20: {  	[sflag:s8] =	ssyncset.s32 @!p0 $0xFFFFF086;
	s6 =	sadd.s32 @!p0 s3, s7;
	s7 =	simm.s32 @!p0 $0x108  }
0x21: {  	s3 =	sadd.s32 s3, s9;
	s6 =	sadd.s32 @!p0 $0x88, s6;
	s7 =	simm.s32 @p2 $0x1082  }
0x22: {  	[simem:s7], [sflag:s8] =	dma.local @!p0 [hbm:s6], $0xF7A  }
0x23: {  	s9 =	sor.u32 $0xD0000000, s2;
	s6 =	simm.s32 $0x108;
	_ =	swait.ge @!p0 [sflag:s8], $0x0  }
0x24: {  	s3 =	sadd.s32 $0x88, s3;
	s6 =	simm.s32 @!p1 $0x1082;
	[sflag:s4] =	ssyncset.s32 $0xFFFFF086  }
0x25: {  	[simem:s6], [sflag:s4] =	dma.local [hbm:s3], $0xF7A  }
0x26: {  	[smem:$0x3F99] =	sst s1;
	(tag) =	ssettag s2;
	_ =	strace s9  }
0x27: {  	s1 =	sld [smem:$0x3FA9]  }
0x28: {  	s2 =	sld [smem:$0x3FAA]  }
0x29: {  	s4 =	sld [smem:$0x3FAC]  }
0x2a: {  	p0 =	seq.s32 s5, $0x0;
	s5 =	sld [smem:$0x3FAD]  }
0x2b: {  	s6 =	sld [smem:$0x3FAE]  }
0x2c: {  	s7 =	sld [smem:$0x3FAF]  }
0x2d: {  	s3 =	simm.s32 $0x108;
	s8 =	sld [smem:$0x3FB0]  }
0x2e: {  	s3 =	simm.s32 @!p0 $0x1082;
	s9 =	sld [smem:$0x3FB1]  }
0x2f: {  	lr =	sadd.s32 s0, s3;
	s0 =	sld [smem:$0x3FA8]  }
0x30: {  	s3 =	sld [smem:$0x3FAB]  }
0x31: {  	[smem:$0x3FB4] =	sst s10  }
0x32: {  	s10 =	sld [smem:$0x3FB2];
	_ =	sdelay $0x3  }
0x33: {  	p0 =	seq.s32 s10, $0x1;
	s10 =	sld [smem:$0x3FB4];
	_ =	sdelay $0x3  }
0x34: {  	[smem:$0x3FB4] =	sst s10  }
0x35: {  	s10 =	sld [smem:$0x3FB3];
	_ =	sdelay $0x3  }
0x36: {  	p1 =	seq.s32 s10, $0x1;
	s10 =	sld [smem:$0x3FB4];
	_ =	sdelay $0x3  }
0x37: {  	[smem:$0x3FB4] =	sst s10  }
0x38: {  	s10 =	sld [smem:$0x3FB5]  }
0x39: {  	_ = 	snop;
	(pc) =	sbr.ind lr, $3  }
0x3a: {  	_ = 	snop  }
0x3b: {  	_ = 	snop  }
0x3c: {  	p2 =	seq.s32 s10, $0x1;
	s10 =	sld [smem:$0x3FB4]  }
0x3d: {  	_ =	shalt  }
0x3e: {  	_ =	shalt  }
0x3f: {  	_ =	shalt  }
0x40: {  	_ =	shalt  }
0x41: {  	_ =	shalt  }
0x42: {  	_ =	shalt  }
0x43: {  	_ =	shalt  }
0x44: {  	_ =	shalt  }
0x45: {  	_ =	shalt  }
0x46: {  	_ =	shalt  }
0x47: {  	_ =	shalt  }
0x48: {  	_ =	shalt  }
0x49: {  	_ =	shalt  }
0x4a: {  	_ =	shalt  }
0x4b: {  	_ =	shalt  }
0x4c: {  	_ =	shalt  }
0x4d: {  	_ =	shalt  }
0x4e: {  	_ =	shalt  }
0x4f: {  	_ =	shalt  }
0x50: {  	_ =	shalt  }
0x51: {  	_ =	shalt  }
0x52: {  	_ =	shalt  }
0x53: {  	_ =	shalt  }
0x54: {  	_ =	shalt  }
0x55: {  	_ =	shalt  }
0x56: {  	_ =	shalt  }
0x57: {  	_ =	shalt  }
0x58: {  	_ =	shalt  }
0x59: {  	_ =	shalt  }
0x5a: {  	_ =	shalt  }
0x5b: {  	_ =	shalt  }
0x5c: {  	_ =	shalt  }
0x5d: {  	_ =	shalt  }
0x5e: {  	_ =	shalt  }
0x5f: {  	_ =	shalt  }
0x60: {  	_ =	shalt  }
0x61: {  	_ =	shalt  }
0x62: {  	_ =	shalt  }
0x63: {  	_ =	shalt  }
0x64: {  	_ =	shalt  }
0x65: {  	_ =	shalt  }
0x66: {  	_ =	shalt  }
0x67: {  	_ =	shalt  }
0x68: {  	_ =	shalt  }
0x69: {  	_ =	shalt  }
0x6a: {  	_ =	shalt  }
0x6b: {  	_ =	shalt  }
0x6c: {  	_ =	shalt  }
0x6d: {  	_ =	shalt  }
0x6e: {  	_ =	shalt  }
0x6f: {  	_ =	shalt  }
0x70: {  	_ =	shalt  }
0x71: {  	_ =	shalt  }
0x72: {  	_ =	shalt  }
0x73: {  	_ =	shalt  }
0x74: {  	_ =	shalt  }
0x75: {  	_ =	shalt  }
0x76: {  	_ =	shalt  }
0x77: {  	_ =	shalt  }
0x78: {  	_ =	shalt  }
0x79: {  	_ =	shalt  }
0x7a: {  	_ =	shalt  }
0x7b: {  	_ =	shalt  }
0x7c: {  	_ =	shalt  }
0x7d: {  	_ =	shalt  }
0x7e: {  	_ =	shalt  }
0x7f: {  	_ =	shalt  }
0x80: {  	_ =	shalt  }
0x81: {  	_ =	shalt  }
0x82: {  	_ =	shalt  }
0x83: {  	_ =	shalt  }
0x84: {  	_ =	shalt  }
0x85: {  	_ =	shalt  }
0x86: {  	_ =	shalt  }
0x87: {  	_ =	shalt  }
.Lfunc_end0:
.L_simem_size_0:
called_computation_lowered:
.L_overlay_start_0:
0x88: {  	s2 =	sld [smem:$0x3FD9]  }
0x89: {  	s3 =	sld [smem:$0x3FFE];
	_ =	sdelay $0x1  }
0x8a: {  	s1 =	srdreg.scid  }
0x8b: {  	s0 =	sand.u32 $0x1, s1  }
0x8c: {  	s17 =	sshll.u32 s0, $0xA;
	s2 =	sadd.s32 s3, s2  }
0x8d: {  	s2 =	sadd.s32 s2, s17  }
0x8e: {  	[smem:$0x3FC0] =	sst s2  }
0x8f: {  	_ = 	snop  }
0x90: {  	s2 =	sld [smem:$0x3FC8];
	(tm) =	ssettm $0x1  }
0x91: {  	s18 =	sld [smem:$0x3FFB];
	_ =	sdelay $0x3  }
0x92: {  	_ =	strace s18  }
0x93: {  	s3 =	sld [smem:$0x3FFC];
	_ =	sdelay $0x3  }
0x94: {  	_ =	strace s3  }
0x95: {  	s3 =	sld [smem:$0x3FFD];
	_ =	sdelay $0x3  }
0x96: {  	_ =	strace s3  }
0x97: {  	_ =	strace $0x8FFFFFFF  }
0x98: {  	s19 =	sld [smem:$0x3FDB];
	_ =	sdelay $0x1  }
0x99: {  	s4 =	simm.s32 $_scs_section_size  }
0x9a: {  	s5 =	simm.s32 $_size__tile_overlayer_lowered;
	s6 =	simm.s32 $_tile_overlayer_lowered  }
0x9b: {  	s22 =	simm.s32 $0x1BFF;
	s21 =	sshll.u32 s6, $0x1;
	s3 =	sadd.s32 s4, s19  }
0x9c: {  	s7 =	simm.s32 $0x0;
	s20 =	sshll.u32 s5, $0x1;
	s5 =	sadd.s32 s21, s3  }
0x9d: {  	[timem:s7], [sflag:s22] =	dma.local [hbm:s5], s20  }
0x9e: {  	_ =	swait.ge [sflag:s22], s20  }
0x9f: {  	s4 =	ssub.s32 $0x0, s20;
	[sflag:s22] =	ssyncset.done $0x0  }
0xa0: {  	[sflag:s22] =	ssyncadd.s32 s4;
	_ =	sdelay $0x1  }
0xa1: {  	s23 =	simm.s32 $0x1B8B  }
0xa2: {  	_ =	swait.ge [sflag:s23], $0x1  }
0xa3: {  	[sflag:s23] =	ssyncset.done $0x0  }
0xa4: {  	s25 =	simm.s32 $0x1B8E;
	s24 =	sld [smem:$0x3FFE];
	[sflag:s23] =	ssyncadd.s32 $0xFFFFFFFF  }
0xa5: {  	s26 =	simm.s32 $execute0_lowered;
	[smem:$0x3FD2] =	sst s25  }
0xa6: {  	s5 =	sshll.u32 s26, $0x1;
	_ =	strace $0x80000046;
	[dreg:$0x1] =	wrdreg $0xFFFFFFFF  }
0xa7: {  	s28 =	simm.s32 $_size_execute0_lowered;
	s3 =	sadd.s32 s3, s5;
	[dreg:$0x0] =	wrdreg $0x0  }
0xa8: {  	s5 =	sshll.u32 s28, $0x1;
	[dreg:$0x2] =	wrdreg s3  }
0xa9: {  	[dreg:$0x3] =	wrdreg s5  }
0xaa: {  	[dreg:$0x4] =	wrdreg $0xC0  }
0xab: {  	_ =	task [dreg:s7], $0x5FFFF  }
0xac: {  	[dreg:$0x1] =	wrdreg $0xFFFFFFFF  }
0xad: {  	[dreg:$0x0] =	wrdreg $0x60  }
0xae: {  	[dreg:$0x2] =	wrdreg s2  }
0xaf: {  	[dreg:$0x3] =	wrdreg s24  }
0xb0: {  	[dreg:$0x4] =	wrdreg $0x9  }
0xb1: {  	_ =	task.clear_ibuf [dreg:s7], $0x5FFFF;
	_ =	strace $0x90000046  }
0xb2: {  	s29 =	simm.s32 $0x9;
	_ =	strace $0x80000048  }
0xb3: {  	_ =	swait.ge [sflag:s29], $0x1  }
0xb4: {  	[sflag:s29] =	ssyncadd.s32 $0xFFFFFFFF  }
0xb5: {  	_ =	strace $0x90000048  }
0xb6: {  	_ =	sfence  }
0xb7: {  	s30 =	sld [smem:$0x0];
	_ =	sdelay $0x2  }
0xb8: {  	s31 =	sshll.u32 s1, $0xD;
	s1 =	sshrl.u32 s1, $0x2  }
0xb9: {  	s3 =	sand.u32 $0x4000, s31;
	s1 =	sadd.s32 s1, s30  }
0xba: {  	s0 =	sor.u32 s3, s0;
	s1 =	sshll.u32 s1, $0x11  }
0xbb: {  	s0 =	sor.u32 s1, s0  }
0xbc: {  	s0 =	sadd.s32 $0x8F2B, s0  }
0xbd: {  	[sflag:s0] =	ssyncadd.remote.s32 $0x1  }
0xbe: {  	_ =	sfence.sel $0xFFFF  }
0xbf: {  	[dreg:$0x0] =	wrdreg $0xFFFFFFFF;
	(pc) =	sbr.abs _section_cstart, $3  }
0xc0: {  	[dreg:$0x1] =	wrdreg $0xFFFFFFFF  }
0xc1: {  	_ =	task.clear_ibuf [dreg:s7], $0x2FFFF;
	_ =	strace $0x9FFFFFFF  }
0xc2: {  	(tm) =	ssettm $0x7FFFFFFF  }
0xc3: {  	_ =	shalt  }
tec
execute0_lowered:
.L_overlay_start_1:
0x0: {  	(tag) =	ssettag $0x1  }
0x1: {  	s1 =	srdreg.scid;
	s5 =	rddreg [dreg:$0x0]  }
0x2: {  	s0 =	stileid.u32;
	s8 =	rddreg [dreg:$0x1]  }
0x3: {  	s2 =	simm.s32 $0x0;
	s12 =	simm.s32 $0x80;
	s13 =	simm.s32 $0x400  }
0x4: {  	s14 =	simm.s32 $0x4F00;
	s15 =	simm.s32 $0x7680;
	s16 =	simm.s32 $0x9E00  }
0x5: {  	s17 =	simm.s32 $0xC580;
	s18 =	simm.s32 $0x1;
	s19 =	simm.s32 $0xED00  }
0x6: {  	s20 =	simm.s32 $0x2;
	s21 =	simm.s32 $0x0;
	s4 =	sand.u32 $0x1, s1  }
0x7: {  	s29 =	sshll.u32 s0, $0x1;
	s30 =	sshrl.u32 s0, $0x2;
	s1 =	rddreg [dreg:$0x2]  }
0x8: {  	[smem:$0x7FF] =	sst s2;
	p0 =	sgt.u32 s0, $0x1;
	s6 =	sor.u32 s4, s29  }
0x9: {  	s3 =	smul.u32 $0x27400, s30;
	_ =	strace $0x80000047;
	s4 =	ssub.s32 $0x2, s4  }
0xa: {  	s7 =	sshll.u32 s6, $0x7;
	s9 =	smul.u32 $0x9C0, s6;
	s6 =	smin.u32 s6, $0x3  }
0xb: {  	s31 =	sshrl.u32 s4, $0x1;
	s7 =	sand.u32 $0x380, s7;
	s6 =	sshll.u32 s6, $0x5  }
.Ltmp0:
0xc: {  	s11 =	ssub.s32 s4, s31;
	s7 =	sor.u32 s3, s7;
	(pc) =	sbr.rel .LBB2_1-.Ltmp0, $4  }
0xd: {  	s3 =	sadd.s32 $0xC00, s8;
	s4 =	sadd.s32 s5, s9;
	s5 =	sadd.s32 s6, s5  }
0xe: {  	s6 =	sadd.s32 $0xC10, s8;
	s7 =	sshrl.u32 s7, $0x3;
	s5 =	sadd.s32 $0x13800, s5  }
0xf: {  	s10 =	sadd.s32 s7, s8;
	s7 =	sadd.s32 $0xC20, s8;
	s8 =	sadd.s32 $0xC30, s8  }
0x10: {  	v0 =	vimm.f32 $0.0e+00;
	s9 =	sadd.s32 $0x3400, s10;
	s10 =	smax.u32 s11, $0x1;
	s11 =	simm.s32 $0x4E00  }
.LBB2_8:
0x11: {  	s21 =	sadd.s32 $0x1, s21  }
0x12: {  	p1 =	sne.s32 s21, s10  }
.Ltmp1:
0x13: {  	_ = 	snop;
	(pc) =	sbr.rel @!p1 .LBB2_9-.Ltmp1, $4  }
0x14: {  	[hbm4b:s9+s12] =	stream.strided.scatter [tilespmem:s19], [sflag:$0x2], $0x4E80, s13, s12, $0x38;
	[tilespmem:$0x13B80] =	vst v63  }
0x15: {  	_ =	swait.ge [sflag:s20], $0x4E80  }
0x16: {  	[sflag:s20] =	ssyncset.done $0x0  }
0x17: {  	[sflag:s20] =	ssyncadd.s32 $0xFFFFB180  }
.LBB2_1:
0x18: {  	[tilespmem:s2], [sflag:$0x1] =	stream.linear.gather [hbm4b:s4+s2], $0x4E00, $0x38;
	[tilespmem:$0x13B80] =	vst v63  }
0x19: {  	_ = 	snop  }
0x1a: {  	[tilespmem:s11], [sflag:$0x1] =	stream.linear.gather [hbm4b:s5+s2], $0x100, $0x38;
	[tilespmem:$0x13B80] =	vst v63  }
0x1b: {  	_ = 	snop  }
0x1c: {  	[tilespmem:s14], [sflag:$0x1] =	stream.strided.gather [hbm4b:s3+s12], $0x2780, s13, s12, $0x38;
	[tilespmem:$0x13B80] =	vst v63  }
0x1d: {  	_ = 	snop  }
0x1e: {  	[tilespmem:s15], [sflag:$0x1] =	stream.strided.gather [hbm4b:s6+s12], $0x2780, s13, s12, $0x38;
	[tilespmem:$0x13B80] =	vst v63  }
0x1f: {  	_ = 	snop  }
0x20: {  	[tilespmem:s16], [sflag:$0x1] =	stream.strided.gather [hbm4b:s7+s12], $0x2780, s13, s12, $0x38;
	[tilespmem:$0x13B80] =	vst v63  }
0x21: {  	s22 =	simm.s32 $0xED50  }
0x22: {  	[tilespmem:s17], [sflag:$0x1] =	stream.strided.gather [hbm4b:s8+s12], $0x2780, s13, s12, $0x38;
	[tilespmem:$0x13B80] =	vst v63  }
0x23: {  	[tilespmem:s22+$0xFFFFFFC0] =	vst v0  }
0x24: {  	[tilespmem:s22+$0xFFFFFFD0] =	vst v0  }
0x25: {  	[tilespmem:s22+$0xFFFFFFE0] =	vst v0  }
0x26: {  	[tilespmem:s22+$0xFFFFFFF0] =	vst v0  }
0x27: {  	[tilespmem:s22+$0x0] =	vst v0  }
0x28: {  	[tilespmem:s22+$0x10] =	vst v0  }
0x29: {  	[tilespmem:s22+$0x20] =	vst v0  }
0x2a: {  	[tilespmem:s22+$0x40] =	vst v0  }
0x2b: {  	s23 =	sand.u32 $0x7FE0, s2;
	[tilespmem:s22+$0xFFFFFFB0] =	vst v0  }
0x2c: {  	s24 =	simm.s32 $0x0;
	s22 =	simm.s32 $0x0;
	[tilespmem:s23+$0xED80] =	vst v0;
	s23 =	simm.s32 $0xEDF0  }
.LBB2_2:
0x2d: {  	[tilespmem:s23+$0xFFFFFFC0] =	vst v0  }
0x2e: {  	[tilespmem:s23+$0xFFFFFFD0] =	vst v0  }
0x2f: {  	[tilespmem:s23+$0xFFFFFFE0] =	vst v0  }
0x30: {  	s22 =	sadd.s32 $0xA, s22;
	[tilespmem:s23+$0xFFFFFFF0] =	vst v0  }
0x31: {  	p1 =	slt.u32 s22, $0x4D8;
	[tilespmem:s23+$0x0] =	vst v0  }
.Ltmp2:
0x32: {  	[tilespmem:s23+$0x10] =	vst v0;
	(pc) =	sbr.rel @p1 .LBB2_2-.Ltmp2, $4  }
0x33: {  	[tilespmem:s23+$0x20] =	vst v0  }
0x34: {  	s24 =	sadd.s32 $0xA0, s24;
	[tilespmem:s23+$0x40] =	vst v0  }
0x35: {  	s25 =	sand.u32 $0x7FE0, s24;
	[tilespmem:s23+$0xFFFFFFB0] =	vst v0  }
0x36: {  	s23 =	sadd.s32 $0xA0, s23;
	[tilespmem:s25+$0xED80] =	vst v0  }
0x37: {  	_ =	swait.ge [sflag:s18], $0x4E00  }
0x38: {  	[sflag:s18] =	ssyncset.done $0x0  }
0x39: {  	[sflag:s18] =	ssyncadd.s32 $0xFFFFB200  }
0x3a: {  	_ =	swait.ge [sflag:s18], $0x100  }
0x3b: {  	[sflag:s18] =	ssyncset.done $0x0  }
0x3c: {  	[sflag:s18] =	ssyncadd.s32 $0xFFFFFF00  }
0x3d: {  	_ =	swait.ge [sflag:s18], $0x2780  }
0x3e: {  	[sflag:s18] =	ssyncset.done $0x0  }
0x3f: {  	[sflag:s18] =	ssyncadd.s32 $0xFFFFD880  }
0x40: {  	_ =	swait.ge [sflag:s18], $0x2780  }
0x41: {  	[sflag:s18] =	ssyncset.done $0x0  }
0x42: {  	[sflag:s18] =	ssyncadd.s32 $0xFFFFD880  }
0x43: {  	_ =	swait.ge [sflag:s18], $0x2780  }
0x44: {  	[sflag:s18] =	ssyncset.done $0x0  }
0x45: {  	[sflag:s18] =	ssyncadd.s32 $0xFFFFD880  }
0x46: {  	_ =	swait.ge [sflag:s18], $0x2780  }
0x47: {  	[sflag:s18] =	ssyncset.done $0x0  }
0x48: {  	s22 =	simm.s32 $0x80;
	[sflag:s18] =	ssyncadd.s32 $0xFFFFD880  }
0x49: {  	v1 =	vld [tilespmem:s22+$0xFFFFFFF0]  }
0x4a: {  	v2 =	vld [tilespmem:s22+$0x70];
	_ =	sdelay $0x1  }
0x4b: {  	v3 =	vld [tilespmem:s22+$0x0]  }
0x4c: {  	v4 =	vld [tilespmem:s22+$0xFFFFFF90]  }
0x4d: {  	v5 =	vld [tilespmem:s22+$0x10]  }
0x4e: {  	v6 =	vld [tilespmem:s22+$0xFFFFFFA0]  }
0x4f: {  	v7 =	vld [tilespmem:s22+$0x20]  }
0x50: {  	v9 =	vld.idx.msk [tilespmem:v1+s16+$0x0], $0xffff  }
0x51: {  	v10 =	vld.idx.msk [tilespmem:v2+s17+$0x0], $0xffff  }
0x52: {  	v8 =	vld [tilespmem:s22+$0xFFFFFFB0]  }
0x53: {  	v11 =	vld [tilespmem:s22+$0x30]  }
0x54: {  	v12 =	vld [tilespmem:s22+$0xFFFFFFC0]  }
0x55: {  	v13 =	vld [tilespmem:s22+$0x40]  }
0x56: {  	v14 =	vld [tilespmem:s22+$0xFFFFFFD0];
	v9 =	vadd.f32 v10, v9  }
0x57: {  	v15 =	vld [tilespmem:s22+$0x50]  }
0x58: {  	v16 =	vld [tilespmem:s22+$0x60];
	v9 =	vsub.f32 $0.0e+00, v9  }
0x59: {  	v17 =	vld [tilespmem:s22+$0xFFFFFF80]  }
0x5a: {  	v18 =	vld.idx.msk [tilespmem:v3+s17+$0x0], $0xffff;
	v9 =	vmul.f32 $1.442695020e+00, v9  }
0x5b: {  	v19 =	vld.idx.msk [tilespmem:v4+s16+$0x0], $0xffff  }
0x5c: {  	v20 =	vld.idx.msk [tilespmem:v5+s17+$0x0], $0xffff;
	(erf) = vpow2.f32 v9  }
0x5d: {  	v21 =	vld.idx.msk [tilespmem:v7+s17+$0x0], $0xffff  }
0x5e: {  	v9 =	vld.idx.msk [tilespmem:v6+s16+$0x0], $0xffff  }
0x5f: {  	v22 =	vld.idx.msk [tilespmem:v8+s16+$0x0], $0xffff  }
0x60: {  	v10 =	vld [tilespmem:s22+$0xFFFFFFE0]  }
0x61: {  	v23 =	vld.idx.msk [tilespmem:v11+s17+$0x0], $0xffff;
	v19 =	vadd.f32 v20, v19  }
0x62: {  	v24 =	vld.idx.msk [tilespmem:v17+s16+$0x0], $0xffff  }
0x63: {  	v42 =	vld.idx.msk [tilespmem:v12+s16+$0x0], $0xffff;
	v19 =	vsub.f32 $0.0e+00, v19;
	v9 =	vadd.f32 v21, v9  }
0x64: {  	v25 =	vld.idx.msk [tilespmem:v13+s17+$0x0], $0xffff  }
0x65: {  	v43 =	vld.idx.msk [tilespmem:v14+s16+$0x0], $0xffff;
	v19 =	vmul.f32 $1.442695020e+00, v19;
	v9 =	vsub.f32 $0.0e+00, v9;
	v44 =	vpop (erf)  }
0x66: {  	v26 =	vld.idx.msk [tilespmem:v15+s17+$0x0], $0xffff;
	v22 =	vadd.f32 v23, v22;
	v23 =	vadd.f32 $1.000000000e+00, v44  }
0x67: {  	v18 =	vadd.f32 v18, v24;
	v24 =	vld.idx.msk [tilespmem:v16+s17+$0x0], $0xffff;
	(erf) = vpow2.f32 v19;
	v9 =	vmul.f32 $1.442695020e+00, v9  }
0x68: {  	v22 =	vsub.f32 $0.0e+00, v22;
	v27 =	vld.idx.msk [tilespmem:v10+s16+$0x0], $0xffff;
	(erf) = vrcp.f32 v23  }
0x69: {  	(erf) = vpow2.f32 v9  }
0x6a: {  	v46 =	vmul.f32 $1.442695020e+00, v22  }
0x6b: {  	v45 =	vadd.f32 v25, v42  }
0x6c: {  	v18 =	vsub.f32 $0.0e+00, v18;
	v9 =	vadd.f32 v26, v43;
	(erf) = vpow2.f32 v46  }
0x6d: {  	v19 =	vsub.f32 $0.0e+00, v45;
	v47 =	vadd.f32 v24, v27  }
0x6e: {  	v18 =	vmul.f32 $1.442695020e+00, v18;
	v9 =	vsub.f32 $0.0e+00, v9  }
0x6f: {  	v19 =	vmul.f32 $1.442695020e+00, v19;
	v49 =	vsub.f32 $0.0e+00, v47  }
0x70: {  	v48 =	vld.idx.msk [tilespmem:v17+s14+$0x0], $0xffff;
	v51 =	vpop (erf);
	(erf) = vpow2.f32 v18;
	v9 =	vmul.f32 $1.442695020e+00, v9  }
0x71: {  	v17 =	vld.idx.msk [tilespmem:v17+s15+$0x0], $0xffff;
	v18 =	vmul.f32 $1.442695020e+00, v49;
	(erf) = vpow2.f32 v19;
	v52 =	vpop (erf)  }
0x72: {  	v50 =	vld.idx.msk [tilespmem:v4+s14+$0x0], $0xffff;
	v19 =	vadd.f32 $1.000000000e+00, v51;
	(erf) = vpow2.f32 v9;
	v24 =	vpop (erf)  }
0x73: {  	v4 =	vld.idx.msk [tilespmem:v4+s15+$0x0], $0xffff;
	(erf) = vpow2.f32 v18;
	v54 =	vadd.f32 $1.000000000e+00, v24  }
0x74: {  	v53 =	vld.idx.msk [tilespmem:v1+s14+$0x0], $0xffff;
	(erf) = vrcp.f32 v19  }
0x75: {  	v1 =	vld.idx.msk [tilespmem:v1+s15+$0x0], $0xffff;
	v55 =	vpop (erf);
	(erf) = vrcp.f32 v54  }
0x76: {  	v2 =	vshll.u32 v2, $0x1;
	v28 =	vld.idx.msk [tilespmem:v14+s14+$0x0], $0xffff  }
0x77: {  	v56 =	vor.u32 $0x1, v2;
	v26 =	vld.idx.msk [tilespmem:v10+s15+$0x0], $0xffff  }
0x78: {  	v9 =	vld.idx.msk [tilespmem:v6+s14+$0x0], $0xffff;
	v19 =	vadd.f32 $1.000000000e+00, v55  }
0x79: {  	v6 =	vld.idx.msk [tilespmem:v6+s15+$0x0], $0xffff;
	v57 =	vmul.f32 v52, v53;
	v25 =	vpop (erf)  }
0x7a: {  	v1 =	vmul.f32 v52, v1;
	v24 =	vld.idx.msk [tilespmem:v8+s14+$0x0], $0xffff;
	v25 =	vadd.f32 $1.000000000e+00, v25;
	v58 =	vpop (erf);
	(erf) = vrcp.f32 v19  }
0x7b: {  	[tilespmem:v2+s19+$0x0] =	vst.idx.add.f32.msk $0xffff, v57;
	v59 =	vadd.f32 $1.000000000e+00, v58;
	v60 =	vpop (erf)  }
0x7c: {  	[tilespmem:v56+s19+$0x0] =	vst.idx.add.f32.msk $0xffff, v1;
	(erf) = vrcp.f32 v25;
	v2 =	vadd.f32 $1.000000000e+00, v60;
	v62 =	vpop (erf)  }
0x7d: {  	v5 =	vshll.u32 v5, $0x1;
	v1 =	vshll.u32 v7, $0x1;
	v7 =	vld.idx.msk [tilespmem:v14+s15+$0x0], $0xffff;
	(erf) = vrcp.f32 v59;
	v14 =	vpop (erf)  }
0x7e: {  	v63 =	vshll.u32 v3, $0x1;
	v61 =	vor.u32 $0x1, v5;
	v25 =	vld.idx.msk [tilespmem:v10+s14+$0x0], $0xffff;
	(erf) = vrcp.f32 v2;
	v10 =	vpop (erf)  }
0x7f: {  	v8 =	vld.idx.msk [tilespmem:v8+s15+$0x0], $0xffff;
	v4 =	vmul.f32 v14, v4;
	v3 =	vmul.f32 v10, v6;
	v6 =	vadd.f32 $1.000000000e+00, v62  }
0x80: {  	v27 =	vld.idx.msk [tilespmem:v12+s14+$0x0], $0xffff;
	v2 =	vor.u32 $0x1, v1;
	v20 =	vmul.f32 v14, v50  }
0x81: {  	v11 =	vshll.u32 v11, $0x1;
	v12 =	vld.idx.msk [tilespmem:v12+s15+$0x0], $0xffff;
	(erf) = vrcp.f32 v6  }
0x82: {  	v14 =	vor.u32 $0x1, v11;
	[tilespmem:v5+s19+$0x0] =	vst.idx.add.f32.msk $0xffff, v20;
	v5 =	vmul.f32 v10, v9  }
0x83: {  	[tilespmem:v61+s19+$0x0] =	vst.idx.add.f32.msk $0xffff, v4;
	v4 =	vpop (erf)  }
0x84: {  	v10 =	vor.u32 $0x1, v63;
	[tilespmem:v1+s19+$0x0] =	vst.idx.add.f32.msk $0xffff, v5;
	v5 =	vmul.f32 v4, v24;
	v8 =	vmul.f32 v4, v8  }
0x85: {  	v9 =	vpop (erf);
	[tilespmem:v2+s19+$0x0] =	vst.idx.add.f32.msk $0xffff, v3  }
0x86: {  	v1 =	vshll.u32 v13, $0x1;
	v2 =	vshll.u32 v15, $0x1;
	v13 =	vmul.f32 v9, v48;
	[tilespmem:v11+s19+$0x0] =	vst.idx.add.f32.msk $0xffff, v5  }
0x87: {  	v3 =	vor.u32 $0x1, v1;
	v15 =	vmul.f32 v9, v17;
	v4 =	vor.u32 $0x1, v2;
	v6 =	vpop (erf);
	[tilespmem:v14+s19+$0x0] =	vst.idx.add.f32.msk $0xffff, v8  }
0x88: {  	v5 =	vshll.u32 v16, $0x1;
	v11 =	vmul.f32 v6, v27;
	v9 =	vmul.f32 v6, v12;
	[tilespmem:v63+s19+$0x0] =	vst.idx.add.f32.msk $0xffff, v13;
	v8 =	vpop (erf)  }
0x89: {  	s23 =	simm.s32 $0x180;
	s22 =	simm.s32 $0x0;
	v6 =	vor.u32 $0x1, v5;
	[tilespmem:v10+s19+$0x0] =	vst.idx.add.f32.msk $0xffff, v15;
	v12 =	vmul.f32 v8, v28;
	v10 =	vmul.f32 v8, v7  }
.LBB2_4:
0x8a: {  	v27 =	vld [tilespmem:s23+$0xFFFFFFF0];
	v7 =	vpop (erf)  }
0x8b: {  	v24 =	vld [tilespmem:s23+$0x70];
	v14 =	vmul.f32 v7, v25;
	v13 =	vmul.f32 v7, v26  }
0x8c: {  	s22 =	sadd.s32 $0x8, s22;
	v21 =	vld [tilespmem:s23+$0x0]  }
0x8d: {  	p1 =	slt.u32 s22, $0x268;
	v25 =	vld [tilespmem:s23+$0xFFFFFF90]  }
0x8e: {  	v22 =	vld [tilespmem:s23+$0x10]  }
0x8f: {  	v26 =	vld [tilespmem:s23+$0xFFFFFFA0]  }
0x90: {  	v28 =	vld [tilespmem:s23+$0x20]  }
0x91: {  	v7 =	vshll.u32 v21, $0x1;
	v29 =	vld [tilespmem:s23+$0xFFFFFFB0]  }
0x92: {  	v8 =	vor.u32 $0x1, v7;
	v20 =	vld.idx.msk [tilespmem:v27+s16+$0x0], $0xffff  }
0x93: {  	v18 =	vshll.u32 v22, $0x1;
	v23 =	vld.idx.msk [tilespmem:v24+s17+$0x0], $0xffff  }
0x94: {  	v16 =	vor.u32 $0x1, v18;
	v30 =	vld [tilespmem:s23+$0x30]  }
0x95: {  	v17 =	vshll.u32 v28, $0x1;
	v31 =	vld [tilespmem:s23+$0xFFFFFFC0]  }
0x96: {  	v15 =	vor.u32 $0x1, v17;
	v32 =	vld [tilespmem:s23+$0x40]  }
0x97: {  	v33 =	vld [tilespmem:s23+$0xFFFFFFD0]  }
0x98: {  	v34 =	vld [tilespmem:s23+$0x50]  }
0x99: {  	v23 =	vadd.f32 v23, v20;
	v19 =	vshll.u32 v30, $0x1;
	v35 =	vld [tilespmem:s23+$0xFFFFFFE0]  }
0x9a: {  	v20 =	vor.u32 $0x1, v19;
	v36 =	vld [tilespmem:s23+$0x60]  }
0x9b: {  	v23 =	vsub.f32 $0.0e+00, v23;
	v37 =	vld [tilespmem:s23+$0xFFFFFF80];
	v38 =	vshll.u32 v32, $0x1  }
0x9c: {  	v39 =	vld.idx.msk [tilespmem:v21+s17+$0x0], $0xffff;
	v40 =	vor.u32 $0x1, v38  }
0x9d: {  	v21 =	vmul.f32 $1.442695020e+00, v23;
	v41 =	vld.idx.msk [tilespmem:v25+s16+$0x0], $0xffff;
	v42 =	vshll.u32 v34, $0x1  }
0x9e: {  	v43 =	vld.idx.msk [tilespmem:v22+s17+$0x0], $0xffff;
	v23 =	vor.u32 $0x1, v42  }
0x9f: {  	v44 =	vld.idx.msk [tilespmem:v26+s16+$0x0], $0xffff;
	v22 =	vshll.u32 v36, $0x1;
	(erf) = vpow2.f32 v21  }
0xa0: {  	v28 =	vld.idx.msk [tilespmem:v28+s17+$0x0], $0xffff;
	v21 =	vor.u32 $0x1, v22  }
0xa1: {  	v45 =	vld.idx.msk [tilespmem:v29+s16+$0x0], $0xffff  }
0xa2: {  	v30 =	vld.idx.msk [tilespmem:v30+s17+$0x0], $0xffff  }
0xa3: {  	v46 =	vld.idx.msk [tilespmem:v37+s16+$0x0], $0xffff  }
0xa4: {  	v41 =	vadd.f32 v43, v41;
	v43 =	vld.idx.msk [tilespmem:v31+s16+$0x0], $0xffff  }
0xa5: {  	v32 =	vld.idx.msk [tilespmem:v32+s17+$0x0], $0xffff  }
0xa6: {  	v41 =	vsub.f32 $0.0e+00, v41;
	v28 =	vadd.f32 v28, v44;
	v44 =	vld.idx.msk [tilespmem:v33+s16+$0x0], $0xffff  }
0xa7: {  	v34 =	vld.idx.msk [tilespmem:v34+s17+$0x0], $0xffff  }
0xa8: {  	v41 =	vmul.f32 $1.442695020e+00, v41;
	v28 =	vsub.f32 $0.0e+00, v28;
	v30 =	vadd.f32 v30, v45;
	v45 =	vld.idx.msk [tilespmem:v35+s16+$0x0], $0xffff;
	v47 =	vpop (erf)  }
0xa9: {  	v39 =	vadd.f32 v39, v46;
	v36 =	vld.idx.msk [tilespmem:v36+s17+$0x0], $0xffff;
	v46 =	vadd.f32 $1.000000000e+00, v47  }
0xaa: {  	v28 =	vmul.f32 $1.442695020e+00, v28;
	v30 =	vsub.f32 $0.0e+00, v30;
	v47 =	vld.idx.msk [tilespmem:v37+s14+$0x0], $0xffff;
	(erf) = vpow2.f32 v41  }
0xab: {  	v39 =	vsub.f32 $0.0e+00, v39;
	v32 =	vadd.f32 v32, v43;
	v37 =	vld.idx.msk [tilespmem:v37+s15+$0x0], $0xffff;
	(erf) = vrcp.f32 v46  }
0xac: {  	v30 =	vmul.f32 $1.442695020e+00, v30;
	v41 =	vld.idx.msk [tilespmem:v25+s14+$0x0], $0xffff;
	(erf) = vpow2.f32 v28  }
0xad: {  	v28 =	vmul.f32 $1.442695020e+00, v39;
	v39 =	vld.idx.msk [tilespmem:v25+s15+$0x0], $0xffff;
	v25 =	vsub.f32 $0.0e+00, v32;
	v32 =	vadd.f32 v34, v44  }
0xae: {  	v34 =	vld.idx.msk [tilespmem:v26+s14+$0x0], $0xffff;
	(erf) = vpow2.f32 v30  }
0xaf: {  	v25 =	vmul.f32 $1.442695020e+00, v25;
	v30 =	vsub.f32 $0.0e+00, v32;
	v32 =	vadd.f32 v36, v45;
	v36 =	vld.idx.msk [tilespmem:v27+s14+$0x0], $0xffff  }
0xb0: {  	v27 =	vld.idx.msk [tilespmem:v27+s15+$0x0], $0xffff;
	(erf) = vpow2.f32 v28  }
0xb1: {  	v28 =	vld.idx.msk [tilespmem:v26+s15+$0x0], $0xffff;
	v26 =	vmul.f32 $1.442695020e+00, v30;
	v30 =	vsub.f32 $0.0e+00, v32;
	(erf) = vpow2.f32 v25  }
0xb2: {  	v24 =	vshll.u32 v24, $0x1;
	v32 =	vld.idx.msk [tilespmem:v29+s14+$0x0], $0xffff  }
0xb3: {  	v29 =	vld.idx.msk [tilespmem:v29+s15+$0x0], $0xffff;
	v25 =	vmul.f32 $1.442695020e+00, v30;
	v30 =	vor.u32 $0x1, v24;
	v43 =	vpop (erf);
	(erf) = vpow2.f32 v26  }
0xb4: {  	v26 =	vadd.f32 $1.000000000e+00, v43;
	v43 =	vld.idx.msk [tilespmem:v31+s14+$0x0], $0xffff;
	v44 =	vpop (erf)  }
0xb5: {  	v31 =	vld.idx.msk [tilespmem:v31+s15+$0x0], $0xffff;
	v36 =	vmul.f32 v44, v36;
	v45 =	vpop (erf);
	(erf) = vpow2.f32 v25  }
0xb6: {  	v27 =	vmul.f32 v44, v27;
	v46 =	vadd.f32 $1.000000000e+00, v45;
	v45 =	vld.idx.msk [tilespmem:v33+s14+$0x0], $0xffff;
	(erf) = vrcp.f32 v26  }
0xb7: {  	[tilespmem:v24+s19+$0x0] =	vst.idx.add.f32.msk $0xffff, v36;
	v24 =	vpop (erf)  }
0xb8: {  	v26 =	vadd.f32 $1.000000000e+00, v24;
	[tilespmem:v30+s19+$0x0] =	vst.idx.add.f32.msk $0xffff, v27;
	(erf) = vrcp.f32 v46  }
0xb9: {  	v27 =	vld.idx.msk [tilespmem:v33+s15+$0x0], $0xffff;
	v25 =	vpop (erf)  }
0xba: {  	v33 =	vadd.f32 $1.000000000e+00, v25;
	v25 =	vld.idx.msk [tilespmem:v35+s14+$0x0], $0xffff;
	(erf) = vrcp.f32 v26;
	v24 =	vpop (erf)  }
0xbb: {  	v24 =	vadd.f32 $1.000000000e+00, v24;
	v26 =	vld.idx.msk [tilespmem:v35+s15+$0x0], $0xffff  }
0xbc: {  	(erf) = vrcp.f32 v33;
	v30 =	vpop (erf);
	[tilespmem:v1+s19+$0x0] =	vst.idx.add.f32.msk $0xffff, v11;
	v1 =	vmov v38  }
0xbd: {  	v11 =	vadd.f32 $1.000000000e+00, v30;
	(erf) = vrcp.f32 v24;
	[tilespmem:v3+s19+$0x0] =	vst.idx.add.f32.msk $0xffff, v9;
	v3 =	vmov v40  }
0xbe: {  	v9 =	vpop (erf);
	[tilespmem:v2+s19+$0x0] =	vst.idx.add.f32.msk $0xffff, v12;
	v2 =	vmov v42  }
0xbf: {  	v9 =	vadd.f32 $1.000000000e+00, v9;
	v12 =	vpop (erf);
	(erf) = vrcp.f32 v11;
	[tilespmem:v4+s19+$0x0] =	vst.idx.add.f32.msk $0xffff, v10;
	v4 =	vmov v23  }
0xc0: {  	v10 =	vmul.f32 v12, v41;
	v23 =	vmul.f32 v12, v39;
	[tilespmem:v5+s19+$0x0] =	vst.idx.add.f32.msk $0xffff, v14;
	v5 =	vmov v22  }
0xc1: {  	v12 =	vpop (erf);
	(erf) = vrcp.f32 v9;
	[tilespmem:v6+s19+$0x0] =	vst.idx.add.f32.msk $0xffff, v13;
	v6 =	vmov v21  }
0xc2: {  	[tilespmem:v18+s19+$0x0] =	vst.idx.add.f32.msk $0xffff, v10;
	v9 =	vmul.f32 v12, v34;
	v12 =	vmul.f32 v12, v28  }
0xc3: {  	[tilespmem:v16+s19+$0x0] =	vst.idx.add.f32.msk $0xffff, v23;
	v11 =	vpop (erf)  }
0xc4: {  	[tilespmem:v17+s19+$0x0] =	vst.idx.add.f32.msk $0xffff, v9;
	v13 =	vmul.f32 v11, v32;
	v11 =	vmul.f32 v11, v29  }
.Ltmp3:
0xc5: {  	[tilespmem:v15+s19+$0x0] =	vst.idx.add.f32.msk $0xffff, v12;
	v10 =	vpop (erf);
	(pc) =	sbr.rel @p1 .LBB2_4-.Ltmp3, $4  }
0xc6: {  	v12 =	vmul.f32 v10, v47;
	v10 =	vmul.f32 v10, v37;
	[tilespmem:v19+s19+$0x0] =	vst.idx.add.f32.msk $0xffff, v13;
	v9 =	vpop (erf)  }
0xc7: {  	[tilespmem:v20+s19+$0x0] =	vst.idx.add.f32.msk $0xffff, v11;
	v11 =	vmul.f32 v9, v43;
	v9 =	vmul.f32 v9, v31  }
0xc8: {  	[tilespmem:v7+s19+$0x0] =	vst.idx.add.f32.msk $0xffff, v12;
	v7 =	vpop (erf)  }
0xc9: {  	s23 =	sadd.s32 $0x100, s23;
	[tilespmem:v8+s19+$0x0] =	vst.idx.add.f32.msk $0xffff, v10;
	v12 =	vmul.f32 v7, v45;
	v10 =	vmul.f32 v7, v27  }
0xca: {  	_ =	sdelay $0x3  }
0xcb: {  	[tilespmem:v1+s19+$0x0] =	vst.idx.add.f32.msk $0xffff, v11  }
.Ltmp4:
0xcc: {  	v1 =	vpop (erf);
	[tilespmem:v3+s19+$0x0] =	vst.idx.add.f32.msk $0xffff, v9;
	(pc) =	sbr.rel @p0 .LBB2_8-.Ltmp4, $4  }
0xcd: {  	v3 =	vmul.f32 v1, v25;
	[tilespmem:v2+s19+$0x0] =	vst.idx.add.f32.msk $0xffff, v12  }
0xce: {  	v1 =	vmul.f32 v1, v26;
	[tilespmem:v4+s19+$0x0] =	vst.idx.add.f32.msk $0xffff, v10  }
0xcf: {  	[tilespmem:v5+s19+$0x0] =	vst.idx.add.f32.msk $0xffff, v3  }
0xd0: {  	[tilespmem:v6+s19+$0x0] =	vst.idx.add.f32.msk $0xffff, v1  }
0xd1: {  	s22 =	simm.s32 $0x0;
	p1 =	por $0x1, $0x1  }
.LBB2_7:
0xd2: {  	v1 =	vld [tilespmem:s22+$0x4E00]  }
0xd3: {  	v2 =	vld [tilespmem:s22+$0x4E80];
	_ =	sdelay $0x6  }
0xd4: {  	v3 =	vld.idx.msk [tilespmem:v1+s16+$0x0], $0xffff  }
0xd5: {  	v4 =	vld.idx.msk [tilespmem:v2+s17+$0x0], $0xffff;
	_ =	sdelay $0x3  }
0xd6: {  	v54 =	vld [tilespmem:s22+$0x4E90]  }
0xd7: {  	v5 =	vld [tilespmem:s22+$0x4E10];
	v3 =	vadd.f32 v4, v3;
	_ =	sdelay $0x1  }
0xd8: {  	v3 =	vsub.f32 $0.0e+00, v3;
	_ =	sdelay $0x1  }
0xd9: {  	v3 =	vmul.f32 $1.442695020e+00, v3;
	_ =	sdelay $0x1  }
0xda: {  	(erf) = vpow2.f32 v3  }
0xdb: {  	v6 =	vld.idx.msk [tilespmem:v54+s17+$0x0], $0xffff  }
0xdc: {  	v3 =	vld.idx.msk [tilespmem:v5+s16+$0x0], $0xffff;
	_ =	sdelay $0x3  }
0xdd: {  	v55 =	vld [tilespmem:s22+$0x4EA0]  }
0xde: {  	v7 =	vld [tilespmem:s22+$0x4E20];
	v3 =	vadd.f32 v6, v3;
	_ =	sdelay $0x1  }
0xdf: {  	v3 =	vsub.f32 $0.0e+00, v3;
	v8 =	vpop (erf)  }
0xe0: {  	v8 =	vadd.f32 $1.000000000e+00, v8  }
0xe1: {  	v3 =	vmul.f32 $1.442695020e+00, v3  }
0xe2: {  	(erf) = vrcp.f32 v8  }
0xe3: {  	(erf) = vpow2.f32 v3  }
0xe4: {  	v56 =	vld.idx.msk [tilespmem:v55+s17+$0x0], $0xffff  }
0xe5: {  	v3 =	vld.idx.msk [tilespmem:v7+s16+$0x0], $0xffff;
	_ =	sdelay $0x3  }
0xe6: {  	v57 =	vld [tilespmem:s22+$0x4EB0]  }
0xe7: {  	v9 =	vld [tilespmem:s22+$0x4E30];
	v3 =	vadd.f32 v56, v3  }
0xe8: {  	v10 =	vpop (erf)  }
0xe9: {  	v3 =	vsub.f32 $0.0e+00, v3;
	v11 =	vpop (erf)  }
0xea: {  	v11 =	vadd.f32 $1.000000000e+00, v11  }
0xeb: {  	v3 =	vmul.f32 $1.442695020e+00, v3  }
0xec: {  	(erf) = vrcp.f32 v11  }
0xed: {  	(erf) = vpow2.f32 v3  }
0xee: {  	v58 =	vld.idx.msk [tilespmem:v57+s17+$0x0], $0xffff  }
0xef: {  	v3 =	vld.idx.msk [tilespmem:v9+s16+$0x0], $0xffff;
	_ =	sdelay $0x4  }
0xf0: {  	v3 =	vadd.f32 v58, v3  }
0xf1: {  	v59 =	vpop (erf)  }
0xf2: {  	v3 =	vsub.f32 $0.0e+00, v3;
	v12 =	vpop (erf)  }
0xf3: {  	v12 =	vadd.f32 $1.000000000e+00, v12  }
0xf4: {  	v3 =	vmul.f32 $1.442695020e+00, v3  }
0xf5: {  	(erf) = vrcp.f32 v12  }
0xf6: {  	(erf) = vpow2.f32 v3;
	_ =	sdelay $0x4  }
0xf7: {  	v3 =	vld.idx.msk [tilespmem:v1+s14+$0x0], $0xffff;
	_ =	sdelay $0x1  }
0xf8: {  	v2 =	vshll.u32 v2, $0x1  }
0xf9: {  	v12 =	vpop (erf)  }
0xfa: {  	v13 =	vpop (erf)  }
0xfb: {  	v3 =	vmul.f32 v10, v3;
	v13 =	vadd.f32 $1.000000000e+00, v13  }
0xfc: {  	v1 =	vld.idx.msk [tilespmem:v1+s15+$0x0], $0xffff  }
0xfd: {  	[tilespmem:v2+s19+$0x0] =	vst.idx.add.f32.msk $0xffff, v3;
	(erf) = vrcp.f32 v13  }
0xfe: {  	v3 =	vld.idx.msk [tilespmem:v5+s14+$0x0], $0xffff  }
0xff: {  	v2 =	vor.u32 $0x1, v2;
	v5 =	vld.idx.msk [tilespmem:v5+s15+$0x0], $0xffff  }
0x100: {  	v60 =	vld.idx.msk [tilespmem:v7+s14+$0x0], $0xffff;
	v4 =	vshll.u32 v54, $0x1  }
0x101: {  	v14 =	vor.u32 $0x1, v4;
	v7 =	vld.idx.msk [tilespmem:v7+s15+$0x0], $0xffff  }
0x102: {  	v61 =	vld.idx.msk [tilespmem:v9+s14+$0x0], $0xffff;
	v6 =	vshll.u32 v55, $0x1;
	v1 =	vmul.f32 v10, v1  }
0x103: {  	v15 =	vor.u32 $0x1, v6;
	v9 =	vld.idx.msk [tilespmem:v9+s15+$0x0], $0xffff;
	v3 =	vmul.f32 v59, v3  }
0x104: {  	[tilespmem:v2+s19+$0x0] =	vst.idx.add.f32.msk $0xffff, v1;
	v1 =	vmul.f32 v59, v5;
	v2 =	vshll.u32 v57, $0x1  }
0x105: {  	p2 =	por p1, p1;
	v62 =	vor.u32 $0x1, v2;
	[tilespmem:v4+s19+$0x0] =	vst.idx.add.f32.msk $0xffff, v3;
	v3 =	vmul.f32 v12, v60  }
.Ltmp5:
0x106: {  	[tilespmem:v14+s19+$0x0] =	vst.idx.add.f32.msk $0xffff, v1;
	v1 =	vmul.f32 v12, v7;
	v63 =	vpop (erf);
	(pc) =	sbr.rel @p2 .LBB2_7-.Ltmp5, $4  }
0x107: {  	[tilespmem:v6+s19+$0x0] =	vst.idx.add.f32.msk $0xffff, v3;
	v3 =	vmul.f32 v63, v61  }
0x108: {  	[tilespmem:v15+s19+$0x0] =	vst.idx.add.f32.msk $0xffff, v1;
	v1 =	vmul.f32 v63, v9  }
0x109: {  	[tilespmem:v2+s19+$0x0] =	vst.idx.add.f32.msk $0xffff, v3  }
0x10a: {  	s22 =	simm.s32 $0x40;
	p1 =	por $0x0, $0x0;
	[tilespmem:v62+s19+$0x0] =	vst.idx.add.f32.msk $0xffff, v1  }
.Ltmp6:
0x10b: {  	_ = 	snop;
	(pc) =	sbr.rel .LBB2_8-.Ltmp6, $1  }
0x10c: {  	_ =	sdelay $0x3  }
.LBB2_9:
0x10d: {  	_ =	sfence.sel $0x180000  }
0x10e: {  	[bflag:$0x0] =	sbarrier.arrive $0xFFFF  }
0x10f: {  	p0 =	sne.s32 s0, $0x0;
	_ =	strace $0x90000047  }
0x110: {  	s0 =	sadd.s32 @!p0 $0x100000, s1;
	[bflag:$0x2] =	sbarrier.arrive $0xFFFF  }
0x111: {  	[sflag:s0] =	ssyncadd.tile.s32 @!p0 $0x1;
	_ =	shalt  }
.Lfunc_end2:
_tile_overlayer_lowered:
.L_overlay_start_2:
0x112: {  	(tag) =	ssettag $0x2  }
0x113: {  	s0 =	rddreg [dreg:$0x0];
	s2 =	stileid.u32  }
0x114: {  	s1 =	rddreg [dreg:$0x1];
	p0 =	sne.s32 s2, $0x0  }
0x115: {  	s3 =	rddreg [dreg:$0x2];
	[bflag:$0x3] =	sbarrier.arrive $0xFFFF;
	s2 =	simm.s32 @!p0 $0x1C02  }
0x116: {  	[timem:s3], [sflag:s2] =	dma.local @!p0 [hbm:s0], s1  }
0x117: {  	s0 =	simm.s32 @!p0 $0x2  }
0x118: {  	_ =	swait.ge @!p0 [sflag:s0], s1  }
0x119: {  	s1 =	ssub.s32 @!p0 $0x0, s1;
	[sflag:s0] =	ssyncset.done @!p0 $0x0  }
0x11a: {  	[sflag:s0] =	ssyncadd.s32 @!p0 s1  }
0x11b: {  	[bflag:$0x3] =	sbarrier.arrive $0xFFFF  }
0x11c: {  	_ =	shalt  }

</sc_bundles>
